<compile_context>
chip_gen: v7x
topology: tpu7x:2x2x1
jax: 0.10.2.dev20260603
libtpu: 0.0.44.dev20260713+nightly
codegen_flags: <defaults>
</compile_context>

<pallas_src>
import functools

import jax
import jax.numpy as jnp
from jax import lax
from jax.experimental import pallas as pl
from jax.experimental.pallas import tpu as pltpu
from jax.experimental.pallas import tpu_sc as plsc

N = 10000
F = 128
H = 128
R = 8
C = 16
E = 320000

NT = 16
GROUP = 128
EPT = E // NT
CHW = 2048
NFULL = EPT // CHW
REMW = EPT - NFULL * CHW
CAP = GROUP * (-(-EPT // GROUP) + 2)
LHALF = 5120
LROWS = 5248
ROWS_PER_TILE = LROWS // NT
N_CNT = 10240
HCROWS = LHALF // GROUP
BN = 1000


def _phase1(x, conv_weight):
    def body(x_ref, w_ref, o_ref):
        xb = x_ref[...]
        for r in range(R):
            o_ref[r] = jnp.dot(xb, w_ref[r],
                               preferred_element_type=jnp.float32)

    return pl.pallas_call(
        body,
        grid=(N // BN,),
        in_specs=[
            pl.BlockSpec((BN, F), lambda b: (b, 0)),
            pl.BlockSpec((R, F, H), lambda b: (0, 0, 0)),
        ],
        out_specs=pl.BlockSpec((R, BN, H), lambda b: (0, b, 0)),
        out_shape=jax.ShapeDtypeStruct((R, N, H), jnp.float32),
    )(x, conv_weight)


def _phase2(h_flat, src, et, dst):
    mesh = plsc.VectorSubcoreMesh(core_axis_name="c", subcore_axis_name="s")

    @functools.partial(
        pl.kernel,
        out_type=(
            jax.ShapeDtypeStruct((2 * LHALF, H), jnp.float32),
            jax.ShapeDtypeStruct((2, HCROWS, GROUP), jnp.float32),
        ),
        mesh=mesh,
        scratch_types=[
            pltpu.VMEM((CHW,), jnp.int32),
            pltpu.VMEM((CHW,), jnp.int32),
            pltpu.VMEM((CHW,), jnp.int32),
            pltpu.VMEM((CAP,), jnp.int32),
            pltpu.VMEM((CAP,), jnp.int32),
            pltpu.VMEM((1, GROUP), jnp.int32),
            pltpu.VMEM((GROUP, H), jnp.float32),
            pltpu.VMEM((HCROWS, GROUP), jnp.float32),
            pltpu.VMEM((HCROWS,), jnp.int32),
            pltpu.VMEM_SHARED((LROWS, H), jnp.float32),
            pltpu.VMEM_SHARED((HCROWS, GROUP), jnp.float32),
            pltpu.SemaphoreType.DMA,
            pltpu.SemaphoreType.DMA,
        ],
        compiler_params=pltpu.CompilerParams(needs_layout_passes=False),
    )
    def k(h_hbm, src_hbm, et_hbm, dst_hbm, agg_out, cnt_out,
          srcc, etc_, dstc, idxf, dstf, dst2d0, rows0,
          cnt_v, idxc, agg_sh, cnt_sh, sem, sem_p):
        cid = lax.axis_index("c")
        sid = lax.axis_index("s")
        ebase = sid * EPT

        zero16 = jnp.zeros((16,), jnp.float32)
        zero16i = jnp.zeros((16,), jnp.int32)
        iota16 = lax.iota(jnp.int32, 16)

        def zrow(r, carry):
            for c in range(H // 16):
                rows0[r, pl.ds(c * 16, 16)] = zero16
            return carry

        lax.fori_loop(0, GROUP, zrow, 0)

        def zcnt(r, carry):
            for c in range(GROUP // 16):
                cnt_v[r, pl.ds(c * 16, 16)] = zero16
            return carry

        lax.fori_loop(0, HCROWS, zcnt, 0)
        for t16 in (0, 16, 24):
            idxc[pl.ds(t16, 16)] = iota16 + t16

        def zfill(k16, carry):
            base = k16 * 16
            spread = LHALF + lax.rem(base, GROUP) + iota16
            idxf[pl.ds(base, 16)] = zero16i
            dstf[pl.ds(base, 16)] = spread
            return carry

        lax.fori_loop(0, CAP // 16, zfill, 0)

        rowbase = sid * ROWS_PER_TILE
        nfull = ROWS_PER_TILE // GROUP
        for t in range(nfull):
            pltpu.sync_copy(rows0, agg_sh.at[pl.ds(rowbase + t * GROUP, GROUP)])
        rem = ROWS_PER_TILE - nfull * GROUP
        if rem:
            pltpu.sync_copy(rows0.at[pl.ds(0, rem)],
                            agg_sh.at[pl.ds(rowbase + nfull * GROUP, rem)])

        @pl.when(sid == 0)
        def _():
            pltpu.sync_copy(cnt_v, cnt_sh)

        lo = cid * LHALF

        def vec(v, o):
            s16 = srcc[pl.ds(v * 16, 16)]
            e16 = etc_[pl.ds(v * 16, 16)]
            d16 = dstc[pl.ds(v * 16, 16)]
            local = d16 - lo
            pred = (local >= 0) & (local < LHALF)
            idx16 = e16 * N + s16
            plsc.store_compressed(idxf.at[pl.ds(o, 16)], idx16, mask=pred)
            plsc.store_compressed(dstf.at[pl.ds(o, 16)], local, mask=pred)
            return o + plsc.all_reduce_population_count(pred)[0]

        def stage(cb, n):
            c1 = pltpu.async_copy(src_hbm.at[pl.ds(cb, n)],
                                  srcc.at[pl.ds(0, n)], sem_p)
            c2 = pltpu.async_copy(et_hbm.at[pl.ds(cb, n)],
                                  etc_.at[pl.ds(0, n)], sem_p)
            c3 = pltpu.async_copy(dst_hbm.at[pl.ds(cb, n)],
                                  dstc.at[pl.ds(0, n)], sem_p)
            c1.wait()
            c2.wait()
            c3.wait()

        def prep(c, o):
            stage(ebase + c * CHW, CHW)
            return lax.fori_loop(0, CHW // 16, vec, o)

        nmine = lax.fori_loop(0, NFULL, prep, jnp.int32(0))
        stage(ebase + NFULL * CHW, REMW)
        nmine = lax.fori_loop(0, REMW // 16, vec, nmine)
        ngroups = lax.div(nmine + (GROUP - 1), jnp.int32(GROUP))

        plsc.subcore_barrier()

        def gbody(g, carry):
            cp = pltpu.async_copy(h_hbm.at[idxf.at[pl.ds(g * GROUP, GROUP)]],
                                  rows0, sem)
            for j in range(GROUP // 16):
                v16 = dstf[pl.ds(g * GROUP + j * 16, 16)]
                dst2d0[0, pl.ds(j * 16, 16)] = v16
                pred = v16 < LHALF
                cnts, last = plsc.scan_count(v16, mask=pred)
                row = lax.shift_right_logical(v16, 7)
                col = lax.bitwise_and(v16, GROUP - 1)
                plsc.addupdate_scatter(cnt_v, [row, col],
                                       cnts.astype(jnp.float32), mask=last)
            cp.wait()
            pltpu.sync_copy(rows0, agg_sh.at[dst2d0.at[0]], add=True)
            return carry

        lax.fori_loop(0, ngroups, gbody, 0)

        pltpu.sync_copy(cnt_v, cnt_sh.at[idxc], add=True)
        plsc.subcore_barrier()

        obase = cid * LHALF + rowbase

        @pl.when(sid < NT - 1)
        def _():
            pltpu.sync_copy(agg_sh.at[pl.ds(rowbase, ROWS_PER_TILE)],
                            agg_out.at[pl.ds(obase, ROWS_PER_TILE)])

        LAST = LHALF - (NT - 1) * ROWS_PER_TILE

        @pl.when(sid == NT - 1)
        def _():
            pltpu.sync_copy(agg_sh.at[pl.ds(rowbase, LAST)],
                            agg_out.at[pl.ds(obase, LAST)])

        @pl.when(sid == 0)
        def _():
            pltpu.sync_copy(cnt_sh, cnt_out.at[cid])

    return k(h_flat, src, et, dst)


def _phase3(acc, cnt_col, x, conv_root, conv_bias, lin_W, lin_b):
    def body(a_ref, c_ref, x_ref, root_ref, bias_ref, lw_ref, lb_ref, o_ref):
        cnt = c_ref[...]
        agg = a_ref[...] / jnp.maximum(cnt, 1.0)
        out1 = agg + jnp.dot(x_ref[...], root_ref[...],
                             preferred_element_type=jnp.float32) + bias_ref[...]
        out1 = jnp.maximum(out1, 0.0)
        o_ref[...] = jnp.dot(out1, lw_ref[...],
                             preferred_element_type=jnp.float32) + lb_ref[...]

    return pl.pallas_call(
        body,
        grid=(N // BN,),
        in_specs=[
            pl.BlockSpec((BN, H), lambda b: (b, 0)),
            pl.BlockSpec((BN, 1), lambda b: (b, 0)),
            pl.BlockSpec((BN, F), lambda b: (b, 0)),
            pl.BlockSpec((F, H), lambda b: (0, 0)),
            pl.BlockSpec((1, H), lambda b: (0, 0)),
            pl.BlockSpec((H, C), lambda b: (0, 0)),
            pl.BlockSpec((1, C), lambda b: (0, 0)),
        ],
        out_specs=pl.BlockSpec((BN, C), lambda b: (b, 0)),
        out_shape=jax.ShapeDtypeStruct((N, C), jnp.float32),
    )(acc, cnt_col, x, conv_root, conv_bias, lin_W, lin_b)


def kernel(x, edge_index, edge_type, conv_weight, conv_root, conv_bias, lin_W, lin_b):
    h = _phase1(x, conv_weight)
    h_flat = h.reshape(R * N, H)

    acc, cnt_planes = _phase2(h_flat, edge_index[0], edge_type, edge_index[1])
    cnt_col = cnt_planes.reshape(N_CNT, 1)
    return _phase3(acc, cnt_col, x, conv_root, conv_bias.reshape(1, H),
                   lin_W, lin_b.reshape(1, C))

# --- scband reference (transcript-rebuilt; emitter-appended) ---
"""Pipeline reference for scband-sl-rgcn-53833120088189 (READ-ONLY COPY).

The authoritative reference and input builder live on the scoring server;
editing this copy changes nothing except your own understanding.
"""

import jax, jax.numpy as jnp
import numpy as np

N = 10000
E = 320000
F = 128
H = 128
R = 8
C = 16


def setup_inputs(seed: int = 0) -> dict:
    key = jax.random.key(seed)
    ks = jax.random.split(key, 8)
    x = jax.random.normal(ks[0], (N, F), dtype=jnp.float32)
    edge_index = jax.random.randint(ks[1], (2, E), 0, N, dtype=jnp.int32)
    edge_type = jax.random.randint(ks[2], (E,), 0, R, dtype=jnp.int32)
    s_in = 1.0 / np.sqrt(F)
    s_hid = 1.0 / np.sqrt(H)
    conv_weight = jax.random.normal(ks[3], (R, F, H), dtype=jnp.float32) * s_in
    conv_root = jax.random.normal(ks[4], (F, H), dtype=jnp.float32) * s_in
    conv_bias = jnp.zeros((H,), dtype=jnp.float32)
    lin_W = jax.random.normal(ks[5], (H, C), dtype=jnp.float32) * s_hid
    lin_b = jnp.zeros((C,), dtype=jnp.float32)
    return {
        "x": x,
        "edge_index": edge_index,
        "edge_type": edge_type,
        "conv_weight": conv_weight,
        "conv_root": conv_root,
        "conv_bias": conv_bias,
        "lin_W": lin_W,
        "lin_b": lin_b,
    }


def reference(x, edge_index, edge_type, conv_weight, conv_root, conv_bias, lin_W, lin_b):
    # FastRGCNConv (aggr='mean' default in PyG RGCNConv family):
    #   message for edge e: x[src[e]] @ W[edge_type[e]]
    # Mathematically identical formulation: transform all nodes per relation,
    # then gather per (relation, src) pair (avoids materializing [E, F, H]).
    src = edge_index[0]
    dst = edge_index[1]
    n = x.shape[0]
    h_rel = jnp.einsum('nf,rfh->rnh', x, conv_weight)  # [R, N, H]
    msg = h_rel[edge_type, src]                        # gather -> [E, H]
    summed = jax.ops.segment_sum(msg, dst, num_segments=n)
    cnt = jax.ops.segment_sum(jnp.ones((msg.shape[0],), dtype=x.dtype), dst, num_segments=n)
    agg = summed / jnp.maximum(cnt, 1.0)[:, None]
    out1 = agg + x @ conv_root + conv_bias
    # dropout (p=0.5) is identity in eval mode; then ReLU
    out1 = jax.nn.relu(out1)
    final = out1 @ lin_W + lin_b
    return final

if __name__ == "__main__":
    import jax
    _d = setup_inputs()
    print(jax.jit(kernel)(*tuple(_d.values())))

</pallas_src>

<mosaic_0001>
#map = affine_map<(d0, d1) -> (0, 0)>
#map1 = affine_map<(d0, d1) -> (0)>
#map2 = affine_map<(d0, d1) -> (0, 0, 0)>
module attributes {stable_mosaic.version = 14 : i64} {
  func.func @k(%arg0: i32, %arg1: i32, %arg2: memref<80000x128xf32, #tpu.memory_space<hbm>>, %arg3: memref<320000xi32, #tpu.memory_space<hbm>>, %arg4: memref<320000xi32, #tpu.memory_space<hbm>>, %arg5: memref<320000xi32, #tpu.memory_space<hbm>>, %arg6: memref<10240x128xf32, #tpu.memory_space<hbm>>, %arg7: memref<2x40x128xf32, #tpu.memory_space<hbm>>, %arg8: memref<2048xi32, #tpu.memory_space<vmem>>, %arg9: memref<2048xi32, #tpu.memory_space<vmem>>, %arg10: memref<2048xi32, #tpu.memory_space<vmem>>, %arg11: memref<20352xi32, #tpu.memory_space<vmem>>, %arg12: memref<20352xi32, #tpu.memory_space<vmem>>, %arg13: memref<1x128xi32, #tpu.memory_space<vmem>>, %arg14: memref<128x128xf32, #tpu.memory_space<vmem>>, %arg15: memref<40x128xf32, #tpu.memory_space<vmem>>, %arg16: memref<40xi32, #tpu.memory_space<vmem>>, %arg17: memref<5248x128xf32, #tpu.memory_space<vmem_shared>>, %arg18: memref<40x128xf32, #tpu.memory_space<vmem_shared>>, %arg19: memref<!tpu.dma_semaphore, #tpu.memory_space<semaphore_mem>>, %arg20: memref<!tpu.dma_semaphore, #tpu.memory_space<semaphore_mem>>) attributes {dimension_semantics = [#tpu.dimension_semantics<core_parallel>, #tpu.dimension_semantics<subcore_parallel>], iteration_bounds = array<i64: 2, 16>, scalar_prefetch = 0 : i64, scratch_operands = 13 : i64, tpu.core_type = #tpu.core_type<sc_vector_subcore>, window_params = [{transform_indices = #map}, {transform_indices = #map1}, {transform_indices = #map1}, {transform_indices = #map1}, {transform_indices = #map}, {transform_indices = #map2}]} {
    %mul3A = arith.constant 20000 : i32
    %mul3A_0 = arith.muli %arg1, %mul3A : i32
    %broadcast_in_dim3A = arith.constant 0.000000e+00 : f32
    %broadcast_in_dim3A_1 = vector.broadcast %broadcast_in_dim3A : f32 to vector<16xf32>
    %broadcast_in_dim3A_2 = arith.constant 0 : i32
    %broadcast_in_dim3A_3 = vector.broadcast %broadcast_in_dim3A_2 : i32 to vector<16xi32>
    %iota3A = tpu.iota {dimensions = array<i32: 0>} : vector<16xi32>
    %scan3A = arith.constant 0 : i32
    %scan3A_4 = arith.constant 0 : i32
    %scan3A_5 = arith.constant 128 : i32
    %scan3A_6 = arith.addi %scan3A_4, %scan3A_5 : i32
    %scan3A_7 = arith.constant 1 : i32
    scf.for %scan3A_125 = %scan3A_4 to %scan3A_6 step %scan3A_7  : i32 {
      %swap3A_126 = arith.index_cast %scan3A_125 : i32 to index
      %swap3A_127 = arith.constant 0 : index
      %swap3A_128 = tpu.vector_load %arg14[%swap3A_126, %swap3A_127] {strides = array<i32>} : memref<128x128xf32, #tpu.memory_space<vmem>>, vector<16xf32>,
      tpu.vector_store %arg14[%swap3A_126, %swap3A_127], %broadcast_in_dim3A_1 {strides = array<i32>} : memref<128x128xf32, #tpu.memory_space<vmem>>, vector<16xf32>,
      %swap3A_129 = arith.index_cast %scan3A_125 : i32 to index
      %swap3A_130 = arith.constant 16 : index
      %swap3A_131 = tpu.vector_load %arg14[%swap3A_129, %swap3A_130] {strides = array<i32>} : memref<128x128xf32, #tpu.memory_space<vmem>>, vector<16xf32>,
      tpu.vector_store %arg14[%swap3A_129, %swap3A_130], %broadcast_in_dim3A_1 {strides = array<i32>} : memref<128x128xf32, #tpu.memory_space<vmem>>, vector<16xf32>,
      %swap3A_132 = arith.index_cast %scan3A_125 : i32 to index
      %swap3A_133 = arith.constant 32 : index
      %swap3A_134 = tpu.vector_load %arg14[%swap3A_132, %swap3A_133] {strides = array<i32>} : memref<128x128xf32, #tpu.memory_space<vmem>>, vector<16xf32>,
      tpu.vector_store %arg14[%swap3A_132, %swap3A_133], %broadcast_in_dim3A_1 {strides = array<i32>} : memref<128x128xf32, #tpu.memory_space<vmem>>, vector<16xf32>,
      %swap3A_135 = arith.index_cast %scan3A_125 : i32 to index
      %swap3A_136 = arith.constant 48 : index
      %swap3A_137 = tpu.vector_load %arg14[%swap3A_135, %swap3A_136] {strides = array<i32>} : memref<128x128xf32, #tpu.memory_space<vmem>>, vector<16xf32>,
      tpu.vector_store %arg14[%swap3A_135, %swap3A_136], %broadcast_in_dim3A_1 {strides = array<i32>} : memref<128x128xf32, #tpu.memory_space<vmem>>, vector<16xf32>,
      %swap3A_138 = arith.index_cast %scan3A_125 : i32 to index
      %swap3A_139 = arith.constant 64 : index
      %swap3A_140 = tpu.vector_load %arg14[%swap3A_138, %swap3A_139] {strides = array<i32>} : memref<128x128xf32, #tpu.memory_space<vmem>>, vector<16xf32>,
      tpu.vector_store %arg14[%swap3A_138, %swap3A_139], %broadcast_in_dim3A_1 {strides = array<i32>} : memref<128x128xf32, #tpu.memory_space<vmem>>, vector<16xf32>,
      %swap3A_141 = arith.index_cast %scan3A_125 : i32 to index
      %swap3A_142 = arith.constant 80 : index
      %swap3A_143 = tpu.vector_load %arg14[%swap3A_141, %swap3A_142] {strides = array<i32>} : memref<128x128xf32, #tpu.memory_space<vmem>>, vector<16xf32>,
      tpu.vector_store %arg14[%swap3A_141, %swap3A_142], %broadcast_in_dim3A_1 {strides = array<i32>} : memref<128x128xf32, #tpu.memory_space<vmem>>, vector<16xf32>,
      %swap3A_144 = arith.index_cast %scan3A_125 : i32 to index
      %swap3A_145 = arith.constant 96 : index
      %swap3A_146 = tpu.vector_load %arg14[%swap3A_144, %swap3A_145] {strides = array<i32>} : memref<128x128xf32, #tpu.memory_space<vmem>>, vector<16xf32>,
      tpu.vector_store %arg14[%swap3A_144, %swap3A_145], %broadcast_in_dim3A_1 {strides = array<i32>} : memref<128x128xf32, #tpu.memory_space<vmem>>, vector<16xf32>,
      %swap3A_147 = arith.index_cast %scan3A_125 : i32 to index
      %swap3A_148 = arith.constant 112 : index
      %swap3A_149 = tpu.vector_load %arg14[%swap3A_147, %swap3A_148] {strides = array<i32>} : memref<128x128xf32, #tpu.memory_space<vmem>>, vector<16xf32>,
      tpu.vector_store %arg14[%swap3A_147, %swap3A_148], %broadcast_in_dim3A_1 {strides = array<i32>} : memref<128x128xf32, #tpu.memory_space<vmem>>, vector<16xf32>,
    }
    %scan3A_8 = arith.constant 128 : i32
    %scan3A_9 = arith.constant 0 : i32
    %scan3A_10 = arith.constant 0 : i32
    %scan3A_11 = arith.constant 40 : i32
    %scan3A_12 = arith.addi %scan3A_10, %scan3A_11 : i32
    %scan3A_13 = arith.constant 1 : i32
    scf.for %scan3A_125 = %scan3A_10 to %scan3A_12 step %scan3A_13  : i32 {
      %swap3A_126 = arith.index_cast %scan3A_125 : i32 to index
      %swap3A_127 = arith.constant 0 : index
      %swap3A_128 = tpu.vector_load %arg15[%swap3A_126, %swap3A_127] {strides = array<i32>} : memref<40x128xf32, #tpu.memory_space<vmem>>, vector<16xf32>,
      tpu.vector_store %arg15[%swap3A_126, %swap3A_127], %broadcast_in_dim3A_1 {strides = array<i32>} : memref<40x128xf32, #tpu.memory_space<vmem>>, vector<16xf32>,
      %swap3A_129 = arith.index_cast %scan3A_125 : i32 to index
      %swap3A_130 = arith.constant 16 : index
      %swap3A_131 = tpu.vector_load %arg15[%swap3A_129, %swap3A_130] {strides = array<i32>} : memref<40x128xf32, #tpu.memory_space<vmem>>, vector<16xf32>,
      tpu.vector_store %arg15[%swap3A_129, %swap3A_130], %broadcast_in_dim3A_1 {strides = array<i32>} : memref<40x128xf32, #tpu.memory_space<vmem>>, vector<16xf32>,
      %swap3A_132 = arith.index_cast %scan3A_125 : i32 to index
      %swap3A_133 = arith.constant 32 : index
      %swap3A_134 = tpu.vector_load %arg15[%swap3A_132, %swap3A_133] {strides = array<i32>} : memref<40x128xf32, #tpu.memory_space<vmem>>, vector<16xf32>,
      tpu.vector_store %arg15[%swap3A_132, %swap3A_133], %broadcast_in_dim3A_1 {strides = array<i32>} : memref<40x128xf32, #tpu.memory_space<vmem>>, vector<16xf32>,
      %swap3A_135 = arith.index_cast %scan3A_125 : i32 to index
      %swap3A_136 = arith.constant 48 : index
      %swap3A_137 = tpu.vector_load %arg15[%swap3A_135, %swap3A_136] {strides = array<i32>} : memref<40x128xf32, #tpu.memory_space<vmem>>, vector<16xf32>,
      tpu.vector_store %arg15[%swap3A_135, %swap3A_136], %broadcast_in_dim3A_1 {strides = array<i32>} : memref<40x128xf32, #tpu.memory_space<vmem>>, vector<16xf32>,
      %swap3A_138 = arith.index_cast %scan3A_125 : i32 to index
      %swap3A_139 = arith.constant 64 : index
      %swap3A_140 = tpu.vector_load %arg15[%swap3A_138, %swap3A_139] {strides = array<i32>} : memref<40x128xf32, #tpu.memory_space<vmem>>, vector<16xf32>,
      tpu.vector_store %arg15[%swap3A_138, %swap3A_139], %broadcast_in_dim3A_1 {strides = array<i32>} : memref<40x128xf32, #tpu.memory_space<vmem>>, vector<16xf32>,
      %swap3A_141 = arith.index_cast %scan3A_125 : i32 to index
      %swap3A_142 = arith.constant 80 : index
      %swap3A_143 = tpu.vector_load %arg15[%swap3A_141, %swap3A_142] {strides = array<i32>} : memref<40x128xf32, #tpu.memory_space<vmem>>, vector<16xf32>,
      tpu.vector_store %arg15[%swap3A_141, %swap3A_142], %broadcast_in_dim3A_1 {strides = array<i32>} : memref<40x128xf32, #tpu.memory_space<vmem>>, vector<16xf32>,
      %swap3A_144 = arith.index_cast %scan3A_125 : i32 to index
      %swap3A_145 = arith.constant 96 : index
      %swap3A_146 = tpu.vector_load %arg15[%swap3A_144, %swap3A_145] {strides = array<i32>} : memref<40x128xf32, #tpu.memory_space<vmem>>, vector<16xf32>,
      tpu.vector_store %arg15[%swap3A_144, %swap3A_145], %broadcast_in_dim3A_1 {strides = array<i32>} : memref<40x128xf32, #tpu.memory_space<vmem>>, vector<16xf32>,
      %swap3A_147 = arith.index_cast %scan3A_125 : i32 to index
      %swap3A_148 = arith.constant 112 : index
      %swap3A_149 = tpu.vector_load %arg15[%swap3A_147, %swap3A_148] {strides = array<i32>} : memref<40x128xf32, #tpu.memory_space<vmem>>, vector<16xf32>,
      tpu.vector_store %arg15[%swap3A_147, %swap3A_148], %broadcast_in_dim3A_1 {strides = array<i32>} : memref<40x128xf32, #tpu.memory_space<vmem>>, vector<16xf32>,
    }
    %scan3A_14 = arith.constant 40 : i32
    %add3A = arith.constant 0 : i32
    %add3A_15 = vector.broadcast %add3A : i32 to vector<16xi32>
    %add3A_16 = arith.addi %iota3A, %add3A_15 : vector<16xi32>
    %swap3A = arith.constant 0 : index
    %swap3A_17 = tpu.vector_load %arg16[%swap3A] {strides = array<i32>} : memref<40xi32, #tpu.memory_space<vmem>>, vector<16xi32>,
    tpu.vector_store %arg16[%swap3A], %add3A_16 {strides = array<i32>} : memref<40xi32, #tpu.memory_space<vmem>>, vector<16xi32>,
    %add3A_18 = arith.constant 16 : i32
    %add3A_19 = vector.broadcast %add3A_18 : i32 to vector<16xi32>
    %add3A_20 = arith.addi %iota3A, %add3A_19 : vector<16xi32>
    %swap3A_21 = arith.constant 16 : index
    %swap3A_22 = tpu.vector_load %arg16[%swap3A_21] {strides = array<i32>} : memref<40xi32, #tpu.memory_space<vmem>>, vector<16xi32>,
    tpu.vector_store %arg16[%swap3A_21], %add3A_20 {strides = array<i32>} : memref<40xi32, #tpu.memory_space<vmem>>, vector<16xi32>,
    %add3A_23 = arith.constant 24 : i32
    %add3A_24 = vector.broadcast %add3A_23 : i32 to vector<16xi32>
    %add3A_25 = arith.addi %iota3A, %add3A_24 : vector<16xi32>
    %swap3A_26 = arith.constant 24 : index
    %swap3A_27 = tpu.vector_load %arg16[%swap3A_26] {strides = array<i32>} : memref<40xi32, #tpu.memory_space<vmem>>, vector<16xi32>,
    tpu.vector_store %arg16[%swap3A_26], %add3A_25 {strides = array<i32>} : memref<40xi32, #tpu.memory_space<vmem>>, vector<16xi32>,
    %scan3A_28 = arith.constant 0 : i32
    %scan3A_29 = arith.constant 0 : i32
    %scan3A_30 = arith.constant 1272 : i32
    %scan3A_31 = arith.addi %scan3A_29, %scan3A_30 : i32
    %scan3A_32 = arith.constant 1 : i32
    scf.for %scan3A_125 = %scan3A_29 to %scan3A_31 step %scan3A_32  : i32 {
      %mul3A_126 = arith.constant 16 : i32
      %mul3A_127 = arith.muli %scan3A_125, %mul3A_126 : i32
      %rem3A = arith.constant 128 : i32
      %rem3A_128 = arith.remsi %mul3A_127, %rem3A : i32
      %add3A_129 = arith.constant 5120 : i32
      %add3A_130 = arith.addi %add3A_129, %rem3A_128 : i32
      %add3A_131 = vector.broadcast %add3A_130 : i32 to vector<16xi32>
      %add3A_132 = arith.addi %add3A_131, %iota3A : vector<16xi32>
      %swap3A_133 = arith.index_cast %mul3A_127 : i32 to index
      %swap3A_134 = tpu.vector_load %arg11[%swap3A_133] {strides = array<i32>} : memref<20352xi32, #tpu.memory_space<vmem>>, vector<16xi32>,
      tpu.vector_store %arg11[%swap3A_133], %broadcast_in_dim3A_3 {strides = array<i32>} : memref<20352xi32, #tpu.memory_space<vmem>>, vector<16xi32>,
      %swap3A_135 = arith.index_cast %mul3A_127 : i32 to index
      %swap3A_136 = tpu.vector_load %arg12[%swap3A_135] {strides = array<i32>} : memref<20352xi32, #tpu.memory_space<vmem>>, vector<16xi32>,
      tpu.vector_store %arg12[%swap3A_135], %add3A_132 {strides = array<i32>} : memref<20352xi32, #tpu.memory_space<vmem>>, vector<16xi32>,
    }
    %scan3A_33 = arith.constant 1272 : i32
    %mul3A_34 = arith.constant 328 : i32
    %mul3A_35 = arith.muli %arg1, %mul3A_34 : i32
    %add3A_36 = arith.constant 0 : i32
    %add3A_37 = arith.addi %mul3A_35, %add3A_36 : i32
    "tpu.region"() ({
      %run_scoped3A = tpu.sem_alloc : memref<!tpu.dma_semaphore, #tpu.memory_space<semaphore_mem>>
      %dma_start3A_125 = arith.constant 0 : i32
      %dma_start3A_126 = tpu.memref_slice %arg17[%add3A_37, %dma_start3A_125] : memref<5248x128xf32, #tpu.memory_space<vmem_shared>> -> memref<128x128xf32, #tpu.memory_space<vmem_shared>>
      %dma_start3A_127 = arith.constant 0 : i32
      %dma_start3A_128 = tpu.memref_slice %arg17[%add3A_37, %dma_start3A_127] : memref<5248x128xf32, #tpu.memory_space<vmem_shared>> -> memref<128x128xf32, #tpu.memory_space<vmem_shared>>
      tpu.enqueue_dma source(%arg14 : memref<128x128xf32, #tpu.memory_space<vmem>>) target(%dma_start3A_128 : memref<128x128xf32, #tpu.memory_space<vmem_shared>>) target_semaphore(%run_scoped3A : memref<!tpu.dma_semaphore, #tpu.memory_space<semaphore_mem>>)
      %dma_wait3A_129 = arith.constant 0 : i32
      %dma_wait3A_130 = tpu.memref_slice %arg17[%add3A_37, %dma_wait3A_129] : memref<5248x128xf32, #tpu.memory_space<vmem_shared>> -> memref<128x128xf32, #tpu.memory_space<vmem_shared>>
      %dma_wait3A_131 = arith.constant 0 : i32
      %dma_wait3A_132 = tpu.memref_slice %arg17[%add3A_37, %dma_wait3A_131] : memref<5248x128xf32, #tpu.memory_space<vmem_shared>> -> memref<128x128xf32, #tpu.memory_space<vmem_shared>>
      tpu.wait_dma2 semaphore(%run_scoped3A : memref<!tpu.dma_semaphore, #tpu.memory_space<semaphore_mem>>) src(%arg14 : memref<128x128xf32, #tpu.memory_space<vmem>>) dst(%dma_wait3A_132 : memref<128x128xf32, #tpu.memory_space<vmem_shared>>)
      tpu.yield
    }) : () -> ()
    %add3A_38 = arith.constant 128 : i32
    %add3A_39 = arith.addi %mul3A_35, %add3A_38 : i32
    "tpu.region"() ({
      %run_scoped3A = tpu.sem_alloc : memref<!tpu.dma_semaphore, #tpu.memory_space<semaphore_mem>>
      %dma_start3A_125 = arith.constant 0 : i32
      %dma_start3A_126 = tpu.memref_slice %arg17[%add3A_39, %dma_start3A_125] : memref<5248x128xf32, #tpu.memory_space<vmem_shared>> -> memref<128x128xf32, #tpu.memory_space<vmem_shared>>
      %dma_start3A_127 = arith.constant 0 : i32
      %dma_start3A_128 = tpu.memref_slice %arg17[%add3A_39, %dma_start3A_127] : memref<5248x128xf32, #tpu.memory_space<vmem_shared>> -> memref<128x128xf32, #tpu.memory_space<vmem_shared>>
      tpu.enqueue_dma source(%arg14 : memref<128x128xf32, #tpu.memory_space<vmem>>) target(%dma_start3A_128 : memref<128x128xf32, #tpu.memory_space<vmem_shared>>) target_semaphore(%run_scoped3A : memref<!tpu.dma_semaphore, #tpu.memory_space<semaphore_mem>>)
      %dma_wait3A_129 = arith.constant 0 : i32
      %dma_wait3A_130 = tpu.memref_slice %arg17[%add3A_39, %dma_wait3A_129] : memref<5248x128xf32, #tpu.memory_space<vmem_shared>> -> memref<128x128xf32, #tpu.memory_space<vmem_shared>>
      %dma_wait3A_131 = arith.constant 0 : i32
      %dma_wait3A_132 = tpu.memref_slice %arg17[%add3A_39, %dma_wait3A_131] : memref<5248x128xf32, #tpu.memory_space<vmem_shared>> -> memref<128x128xf32, #tpu.memory_space<vmem_shared>>
      tpu.wait_dma2 semaphore(%run_scoped3A : memref<!tpu.dma_semaphore, #tpu.memory_space<semaphore_mem>>) src(%arg14 : memref<128x128xf32, #tpu.memory_space<vmem>>) dst(%dma_wait3A_132 : memref<128x128xf32, #tpu.memory_space<vmem_shared>>)
      tpu.yield
    }) : () -> ()
    %add3A_40 = arith.constant 256 : i32
    %add3A_41 = arith.addi %mul3A_35, %add3A_40 : i32
    "tpu.region"() ({
      %run_scoped3A = tpu.sem_alloc : memref<!tpu.dma_semaphore, #tpu.memory_space<semaphore_mem>>
      %dma_start3A_125 = arith.constant 0 : i32
      %dma_start3A_126 = arith.constant 0 : i32
      %dma_start3A_127 = tpu.memref_slice %arg14[%dma_start3A_125, %dma_start3A_126] : memref<128x128xf32, #tpu.memory_space<vmem>> -> memref<72x128xf32, #tpu.memory_space<vmem>>
      %dma_start3A_128 = arith.constant 0 : i32
      %dma_start3A_129 = tpu.memref_slice %arg17[%add3A_41, %dma_start3A_128] : memref<5248x128xf32, #tpu.memory_space<vmem_shared>> -> memref<72x128xf32, #tpu.memory_space<vmem_shared>>
      %dma_start3A_130 = arith.constant 0 : i32
      %dma_start3A_131 = tpu.memref_slice %arg17[%add3A_41, %dma_start3A_130] : memref<5248x128xf32, #tpu.memory_space<vmem_shared>> -> memref<72x128xf32, #tpu.memory_space<vmem_shared>>
      %dma_start3A_132 = arith.constant 0 : i32
      %dma_start3A_133 = arith.constant 0 : i32
      %dma_start3A_134 = tpu.memref_slice %arg14[%dma_start3A_132, %dma_start3A_133] : memref<128x128xf32, #tpu.memory_space<vmem>> -> memref<72x128xf32, #tpu.memory_space<vmem>>
      tpu.enqueue_dma source(%dma_start3A_134 : memref<72x128xf32, #tpu.memory_space<vmem>>) target(%dma_start3A_131 : memref<72x128xf32, #tpu.memory_space<vmem_shared>>) target_semaphore(%run_scoped3A : memref<!tpu.dma_semaphore, #tpu.memory_space<semaphore_mem>>)
      %dma_wait3A_135 = arith.constant 0 : i32
      %dma_wait3A_136 = arith.constant 0 : i32
      %dma_wait3A_137 = tpu.memref_slice %arg14[%dma_wait3A_135, %dma_wait3A_136] : memref<128x128xf32, #tpu.memory_space<vmem>> -> memref<72x128xf32, #tpu.memory_space<vmem>>
      %dma_wait3A_138 = arith.constant 0 : i32
      %dma_wait3A_139 = tpu.memref_slice %arg17[%add3A_41, %dma_wait3A_138] : memref<5248x128xf32, #tpu.memory_space<vmem_shared>> -> memref<72x128xf32, #tpu.memory_space<vmem_shared>>
      %dma_wait3A_140 = arith.constant 0 : i32
      %dma_wait3A_141 = tpu.memref_slice %arg17[%add3A_41, %dma_wait3A_140] : memref<5248x128xf32, #tpu.memory_space<vmem_shared>> -> memref<72x128xf32, #tpu.memory_space<vmem_shared>>
      %dma_wait3A_142 = arith.constant 0 : i32
      %dma_wait3A_143 = arith.constant 0 : i32
      %dma_wait3A_144 = tpu.memref_slice %arg14[%dma_wait3A_142, %dma_wait3A_143] : memref<128x128xf32, #tpu.memory_space<vmem>> -> memref<72x128xf32, #tpu.memory_space<vmem>>
      tpu.wait_dma2 semaphore(%run_scoped3A : memref<!tpu.dma_semaphore, #tpu.memory_space<semaphore_mem>>) src(%dma_wait3A_144 : memref<72x128xf32, #tpu.memory_space<vmem>>) dst(%dma_wait3A_141 : memref<72x128xf32, #tpu.memory_space<vmem_shared>>)
      tpu.yield
    }) : () -> ()
    %eq3A = arith.constant 0 : i32
    %eq3A_42 = arith.cmpi eq, %arg1, %eq3A : i32
    %convert_element_type3A = arith.extui %eq3A_42 : i1 to i32
    %cond3A = arith.constant 0 : i32
    %cond3A_43 = arith.cmpi ne, %convert_element_type3A, %cond3A : i32
    scf.if %cond3A_43 {
      "tpu.region"() ({
        %run_scoped3A = tpu.sem_alloc : memref<!tpu.dma_semaphore, #tpu.memory_space<semaphore_mem>>
        tpu.enqueue_dma source(%arg15 : memref<40x128xf32, #tpu.memory_space<vmem>>) target(%arg18 : memref<40x128xf32, #tpu.memory_space<vmem_shared>>) target_semaphore(%run_scoped3A : memref<!tpu.dma_semaphore, #tpu.memory_space<semaphore_mem>>)
        tpu.wait_dma2 semaphore(%run_scoped3A : memref<!tpu.dma_semaphore, #tpu.memory_space<semaphore_mem>>) src(%arg15 : memref<40x128xf32, #tpu.memory_space<vmem>>) dst(%arg18 : memref<40x128xf32, #tpu.memory_space<vmem_shared>>)
        tpu.yield
      }) : () -> ()
    } else {
    }
    %mul3A_44 = arith.constant 5120 : i32
    %mul3A_45 = arith.muli %arg0, %mul3A_44 : i32
    %scan3A_46 = arith.constant 0 : i32
    %scan3A_47 = arith.constant 0 : i32
    %scan3A_48 = arith.constant 9 : i32
    %scan3A_49 = arith.addi %scan3A_47, %scan3A_48 : i32
    %scan3A_50 = arith.constant 1 : i32
    %scan3A_51 = scf.for %scan3A_125 = %scan3A_47 to %scan3A_49 step %scan3A_50 iter_args(%scan3A_126 = %scan3A_46) -> (i32)  : i32 {
      %mul3A_127 = arith.constant 2048 : i32
      %mul3A_128 = arith.muli %scan3A_125, %mul3A_127 : i32
      %add3A_129 = arith.addi %mul3A_0, %mul3A_128 : i32
      %dma_start3A_130 = arith.constant 0 : i32
      %dma_start3A_131 = tpu.memref_slice %arg8[%dma_start3A_130] : memref<2048xi32, #tpu.memory_space<vmem>> -> memref<2048xi32, #tpu.memory_space<vmem>>
      %dma_start3A_132 = tpu.memref_slice %arg3[%add3A_129] : memref<320000xi32, #tpu.memory_space<hbm>> -> memref<2048xi32, #tpu.memory_space<hbm>>
      %dma_start3A_133 = arith.constant 0 : i32
      %dma_start3A_134 = tpu.memref_slice %arg8[%dma_start3A_133] : memref<2048xi32, #tpu.memory_space<vmem>> -> memref<2048xi32, #tpu.memory_space<vmem>>
      %dma_start3A_135 = tpu.memref_slice %arg3[%add3A_129] : memref<320000xi32, #tpu.memory_space<hbm>> -> memref<2048xi32, #tpu.memory_space<hbm>>
      tpu.enqueue_dma source(%dma_start3A_135 : memref<2048xi32, #tpu.memory_space<hbm>>) target(%dma_start3A_134 : memref<2048xi32, #tpu.memory_space<vmem>>) target_semaphore(%arg20 : memref<!tpu.dma_semaphore, #tpu.memory_space<semaphore_mem>>)
      %dma_start3A_136 = arith.constant 0 : i32
      %dma_start3A_137 = tpu.memref_slice %arg9[%dma_start3A_136] : memref<2048xi32, #tpu.memory_space<vmem>> -> memref<2048xi32, #tpu.memory_space<vmem>>
      %dma_start3A_138 = tpu.memref_slice %arg4[%add3A_129] : memref<320000xi32, #tpu.memory_space<hbm>> -> memref<2048xi32, #tpu.memory_space<hbm>>
      %dma_start3A_139 = arith.constant 0 : i32
      %dma_start3A_140 = tpu.memref_slice %arg9[%dma_start3A_139] : memref<2048xi32, #tpu.memory_space<vmem>> -> memref<2048xi32, #tpu.memory_space<vmem>>
      %dma_start3A_141 = tpu.memref_slice %arg4[%add3A_129] : memref<320000xi32, #tpu.memory_space<hbm>> -> memref<2048xi32, #tpu.memory_space<hbm>>
      tpu.enqueue_dma source(%dma_start3A_141 : memref<2048xi32, #tpu.memory_space<hbm>>) target(%dma_start3A_140 : memref<2048xi32, #tpu.memory_space<vmem>>) target_semaphore(%arg20 : memref<!tpu.dma_semaphore, #tpu.memory_space<semaphore_mem>>)
      %dma_start3A_142 = arith.constant 0 : i32
      %dma_start3A_143 = tpu.memref_slice %arg10[%dma_start3A_142] : memref<2048xi32, #tpu.memory_space<vmem>> -> memref<2048xi32, #tpu.memory_space<vmem>>
      %dma_start3A_144 = tpu.memref_slice %arg5[%add3A_129] : memref<320000xi32, #tpu.memory_space<hbm>> -> memref<2048xi32, #tpu.memory_space<hbm>>
      %dma_start3A_145 = arith.constant 0 : i32
      %dma_start3A_146 = tpu.memref_slice %arg10[%dma_start3A_145] : memref<2048xi32, #tpu.memory_space<vmem>> -> memref<2048xi32, #tpu.memory_space<vmem>>
      %dma_start3A_147 = tpu.memref_slice %arg5[%add3A_129] : memref<320000xi32, #tpu.memory_space<hbm>> -> memref<2048xi32, #tpu.memory_space<hbm>>
      tpu.enqueue_dma source(%dma_start3A_147 : memref<2048xi32, #tpu.memory_space<hbm>>) target(%dma_start3A_146 : memref<2048xi32, #tpu.memory_space<vmem>>) target_semaphore(%arg20 : memref<!tpu.dma_semaphore, #tpu.memory_space<semaphore_mem>>)
      %dma_wait3A_148 = arith.constant 0 : i32
      %dma_wait3A_149 = tpu.memref_slice %arg8[%dma_wait3A_148] : memref<2048xi32, #tpu.memory_space<vmem>> -> memref<2048xi32, #tpu.memory_space<vmem>>
      %dma_wait3A_150 = tpu.memref_slice %arg3[%add3A_129] : memref<320000xi32, #tpu.memory_space<hbm>> -> memref<2048xi32, #tpu.memory_space<hbm>>
      %dma_wait3A_151 = arith.constant 0 : i32
      %dma_wait3A_152 = tpu.memref_slice %arg8[%dma_wait3A_151] : memref<2048xi32, #tpu.memory_space<vmem>> -> memref<2048xi32, #tpu.memory_space<vmem>>
      %dma_wait3A_153 = tpu.memref_slice %arg3[%add3A_129] : memref<320000xi32, #tpu.memory_space<hbm>> -> memref<2048xi32, #tpu.memory_space<hbm>>
      tpu.wait_dma2 semaphore(%arg20 : memref<!tpu.dma_semaphore, #tpu.memory_space<semaphore_mem>>) src(%dma_wait3A_153 : memref<2048xi32, #tpu.memory_space<hbm>>) dst(%dma_wait3A_152 : memref<2048xi32, #tpu.memory_space<vmem>>)
      %dma_wait3A_154 = arith.constant 0 : i32
      %dma_wait3A_155 = tpu.memref_slice %arg9[%dma_wait3A_154] : memref<2048xi32, #tpu.memory_space<vmem>> -> memref<2048xi32, #tpu.memory_space<vmem>>
      %dma_wait3A_156 = tpu.memref_slice %arg4[%add3A_129] : memref<320000xi32, #tpu.memory_space<hbm>> -> memref<2048xi32, #tpu.memory_space<hbm>>
      %dma_wait3A_157 = arith.constant 0 : i32
      %dma_wait3A_158 = tpu.memref_slice %arg9[%dma_wait3A_157] : memref<2048xi32, #tpu.memory_space<vmem>> -> memref<2048xi32, #tpu.memory_space<vmem>>
      %dma_wait3A_159 = tpu.memref_slice %arg4[%add3A_129] : memref<320000xi32, #tpu.memory_space<hbm>> -> memref<2048xi32, #tpu.memory_space<hbm>>
      tpu.wait_dma2 semaphore(%arg20 : memref<!tpu.dma_semaphore, #tpu.memory_space<semaphore_mem>>) src(%dma_wait3A_159 : memref<2048xi32, #tpu.memory_space<hbm>>) dst(%dma_wait3A_158 : memref<2048xi32, #tpu.memory_space<vmem>>)
      %dma_wait3A_160 = arith.constant 0 : i32
      %dma_wait3A_161 = tpu.memref_slice %arg10[%dma_wait3A_160] : memref<2048xi32, #tpu.memory_space<vmem>> -> memref<2048xi32, #tpu.memory_space<vmem>>
      %dma_wait3A_162 = tpu.memref_slice %arg5[%add3A_129] : memref<320000xi32, #tpu.memory_space<hbm>> -> memref<2048xi32, #tpu.memory_space<hbm>>
      %dma_wait3A_163 = arith.constant 0 : i32
      %dma_wait3A_164 = tpu.memref_slice %arg10[%dma_wait3A_163] : memref<2048xi32, #tpu.memory_space<vmem>> -> memref<2048xi32, #tpu.memory_space<vmem>>
      %dma_wait3A_165 = tpu.memref_slice %arg5[%add3A_129] : memref<320000xi32, #tpu.memory_space<hbm>> -> memref<2048xi32, #tpu.memory_space<hbm>>
      tpu.wait_dma2 semaphore(%arg20 : memref<!tpu.dma_semaphore, #tpu.memory_space<semaphore_mem>>) src(%dma_wait3A_165 : memref<2048xi32, #tpu.memory_space<hbm>>) dst(%dma_wait3A_164 : memref<2048xi32, #tpu.memory_space<vmem>>)
      %scan3A_166 = arith.constant 0 : i32
      %scan3A_167 = arith.constant 128 : i32
      %scan3A_168 = arith.addi %scan3A_166, %scan3A_167 : i32
      %scan3A_169 = arith.constant 1 : i32
      %scan3A_170 = scf.for %scan3A_172 = %scan3A_166 to %scan3A_168 step %scan3A_169 iter_args(%scan3A_173 = %scan3A_126) -> (i32)  : i32 {
        %mul3A_174 = arith.constant 16 : i32
        %mul3A_175 = arith.muli %scan3A_172, %mul3A_174 : i32
        %get3A = arith.index_cast %mul3A_175 : i32 to index
        %get3A_176 = tpu.vector_load %arg8[%get3A] {strides = array<i32>} : memref<2048xi32, #tpu.memory_space<vmem>>, vector<16xi32>,
        %mul3A_177 = arith.constant 16 : i32
        %mul3A_178 = arith.muli %scan3A_172, %mul3A_177 : i32
        %get3A_179 = arith.index_cast %mul3A_178 : i32 to index
        %get3A_180 = tpu.vector_load %arg9[%get3A_179] {strides = array<i32>} : memref<2048xi32, #tpu.memory_space<vmem>>, vector<16xi32>,
        %mul3A_181 = arith.constant 16 : i32
        %mul3A_182 = arith.muli %scan3A_172, %mul3A_181 : i32
        %get3A_183 = arith.index_cast %mul3A_182 : i32 to index
        %get3A_184 = tpu.vector_load %arg10[%get3A_183] {strides = array<i32>} : memref<2048xi32, #tpu.memory_space<vmem>>, vector<16xi32>,
        %sub3A = vector.broadcast %mul3A_45 : i32 to vector<16xi32>
        %sub3A_185 = arith.subi %get3A_184, %sub3A : vector<16xi32>
        %ge3A = arith.constant 0 : i32
        %ge3A_186 = vector.broadcast %ge3A : i32 to vector<16xi32>
        %ge3A_187 = arith.cmpi sge, %sub3A_185, %ge3A_186 : vector<16xi32>
        %lt3A_188 = arith.constant 5120 : i32
        %lt3A_189 = vector.broadcast %lt3A_188 : i32 to vector<16xi32>
        %lt3A_190 = arith.cmpi slt, %sub3A_185, %lt3A_189 : vector<16xi32>
        %and3A = arith.andi %ge3A_187, %lt3A_190 : vector<16xi1>
        %mul3A_191 = arith.constant 10000 : i32
        %mul3A_192 = vector.broadcast %mul3A_191 : i32 to vector<16xi32>
        %mul3A_193 = arith.muli %get3A_180, %mul3A_192 : vector<16xi32>
        %add3A_194 = arith.addi %mul3A_193, %get3A_176 : vector<16xi32>
        %swap3A_195 = arith.index_cast %scan3A_173 : i32 to index
        %swap3A_196 = tpu.vector_load %arg11[%swap3A_195] masked %and3A {strides = array<i32>} : memref<20352xi32, #tpu.memory_space<vmem>>, vector<16xi32>, vector<16xi1>
        tpu.vector_store %arg11[%swap3A_195], %add3A_194 masked %and3A {strides = array<i32>} : memref<20352xi32, #tpu.memory_space<vmem>>, vector<16xi32>, vector<16xi1>
        %swap3A_197 = arith.index_cast %scan3A_173 : i32 to index
        %swap3A_198 = tpu.vector_load %arg12[%swap3A_197] masked %and3A {strides = array<i32>} : memref<20352xi32, #tpu.memory_space<vmem>>, vector<16xi32>, vector<16xi1>
        tpu.vector_store %arg12[%swap3A_197], %sub3A_185 masked %and3A {strides = array<i32>} : memref<20352xi32, #tpu.memory_space<vmem>>, vector<16xi32>, vector<16xi1>
        %all_reduce_population_count3A = tpu.all_reduce %and3A {dim = 0 : i64, kind = #tpu.reduction_kind<sum>} : vector<16xi1> -> vector<16xi32>
        %slice3A = vector.extract_strided_slice %all_reduce_population_count3A {offsets = [0], sizes = [1], strides = [1]} : vector<16xi32> to vector<1xi32>
        %squeeze3A = vector.extract %slice3A[0] : i32 from vector<1xi32>
        %add3A_199 = arith.addi %scan3A_173, %squeeze3A : i32
        scf.yield %add3A_199 : i32
      }
      %scan3A_171 = arith.constant 128 : i32
      scf.yield %scan3A_170 : i32
    }
    %scan3A_52 = arith.constant 9 : i32
    %add3A_53 = arith.constant 18432 : i32
    %add3A_54 = arith.addi %mul3A_0, %add3A_53 : i32
    %dma_start3A = arith.constant 0 : i32
    %dma_start3A_55 = tpu.memref_slice %arg8[%dma_start3A] : memref<2048xi32, #tpu.memory_space<vmem>> -> memref<1568xi32, #tpu.memory_space<vmem>>
    %dma_start3A_56 = tpu.memref_slice %arg3[%add3A_54] : memref<320000xi32, #tpu.memory_space<hbm>> -> memref<1568xi32, #tpu.memory_space<hbm>>
    %dma_start3A_57 = arith.constant 0 : i32
    %dma_start3A_58 = tpu.memref_slice %arg8[%dma_start3A_57] : memref<2048xi32, #tpu.memory_space<vmem>> -> memref<1568xi32, #tpu.memory_space<vmem>>
    %dma_start3A_59 = tpu.memref_slice %arg3[%add3A_54] : memref<320000xi32, #tpu.memory_space<hbm>> -> memref<1568xi32, #tpu.memory_space<hbm>>
    tpu.enqueue_dma source(%dma_start3A_59 : memref<1568xi32, #tpu.memory_space<hbm>>) target(%dma_start3A_58 : memref<1568xi32, #tpu.memory_space<vmem>>) target_semaphore(%arg20 : memref<!tpu.dma_semaphore, #tpu.memory_space<semaphore_mem>>)
    %dma_start3A_60 = arith.constant 0 : i32
    %dma_start3A_61 = tpu.memref_slice %arg9[%dma_start3A_60] : memref<2048xi32, #tpu.memory_space<vmem>> -> memref<1568xi32, #tpu.memory_space<vmem>>
    %dma_start3A_62 = tpu.memref_slice %arg4[%add3A_54] : memref<320000xi32, #tpu.memory_space<hbm>> -> memref<1568xi32, #tpu.memory_space<hbm>>
    %dma_start3A_63 = arith.constant 0 : i32
    %dma_start3A_64 = tpu.memref_slice %arg9[%dma_start3A_63] : memref<2048xi32, #tpu.memory_space<vmem>> -> memref<1568xi32, #tpu.memory_space<vmem>>
    %dma_start3A_65 = tpu.memref_slice %arg4[%add3A_54] : memref<320000xi32, #tpu.memory_space<hbm>> -> memref<1568xi32, #tpu.memory_space<hbm>>
    tpu.enqueue_dma source(%dma_start3A_65 : memref<1568xi32, #tpu.memory_space<hbm>>) target(%dma_start3A_64 : memref<1568xi32, #tpu.memory_space<vmem>>) target_semaphore(%arg20 : memref<!tpu.dma_semaphore, #tpu.memory_space<semaphore_mem>>)
    %dma_start3A_66 = arith.constant 0 : i32
    %dma_start3A_67 = tpu.memref_slice %arg10[%dma_start3A_66] : memref<2048xi32, #tpu.memory_space<vmem>> -> memref<1568xi32, #tpu.memory_space<vmem>>
    %dma_start3A_68 = tpu.memref_slice %arg5[%add3A_54] : memref<320000xi32, #tpu.memory_space<hbm>> -> memref<1568xi32, #tpu.memory_space<hbm>>
    %dma_start3A_69 = arith.constant 0 : i32
    %dma_start3A_70 = tpu.memref_slice %arg10[%dma_start3A_69] : memref<2048xi32, #tpu.memory_space<vmem>> -> memref<1568xi32, #tpu.memory_space<vmem>>
    %dma_start3A_71 = tpu.memref_slice %arg5[%add3A_54] : memref<320000xi32, #tpu.memory_space<hbm>> -> memref<1568xi32, #tpu.memory_space<hbm>>
    tpu.enqueue_dma source(%dma_start3A_71 : memref<1568xi32, #tpu.memory_space<hbm>>) target(%dma_start3A_70 : memref<1568xi32, #tpu.memory_space<vmem>>) target_semaphore(%arg20 : memref<!tpu.dma_semaphore, #tpu.memory_space<semaphore_mem>>)
    %dma_wait3A = arith.constant 0 : i32
    %dma_wait3A_72 = tpu.memref_slice %arg8[%dma_wait3A] : memref<2048xi32, #tpu.memory_space<vmem>> -> memref<1568xi32, #tpu.memory_space<vmem>>
    %dma_wait3A_73 = tpu.memref_slice %arg3[%add3A_54] : memref<320000xi32, #tpu.memory_space<hbm>> -> memref<1568xi32, #tpu.memory_space<hbm>>
    %dma_wait3A_74 = arith.constant 0 : i32
    %dma_wait3A_75 = tpu.memref_slice %arg8[%dma_wait3A_74] : memref<2048xi32, #tpu.memory_space<vmem>> -> memref<1568xi32, #tpu.memory_space<vmem>>
    %dma_wait3A_76 = tpu.memref_slice %arg3[%add3A_54] : memref<320000xi32, #tpu.memory_space<hbm>> -> memref<1568xi32, #tpu.memory_space<hbm>>
    tpu.wait_dma2 semaphore(%arg20 : memref<!tpu.dma_semaphore, #tpu.memory_space<semaphore_mem>>) src(%dma_wait3A_76 : memref<1568xi32, #tpu.memory_space<hbm>>) dst(%dma_wait3A_75 : memref<1568xi32, #tpu.memory_space<vmem>>)
    %dma_wait3A_77 = arith.constant 0 : i32
    %dma_wait3A_78 = tpu.memref_slice %arg9[%dma_wait3A_77] : memref<2048xi32, #tpu.memory_space<vmem>> -> memref<1568xi32, #tpu.memory_space<vmem>>
    %dma_wait3A_79 = tpu.memref_slice %arg4[%add3A_54] : memref<320000xi32, #tpu.memory_space<hbm>> -> memref<1568xi32, #tpu.memory_space<hbm>>
    %dma_wait3A_80 = arith.constant 0 : i32
    %dma_wait3A_81 = tpu.memref_slice %arg9[%dma_wait3A_80] : memref<2048xi32, #tpu.memory_space<vmem>> -> memref<1568xi32, #tpu.memory_space<vmem>>
    %dma_wait3A_82 = tpu.memref_slice %arg4[%add3A_54] : memref<320000xi32, #tpu.memory_space<hbm>> -> memref<1568xi32, #tpu.memory_space<hbm>>
    tpu.wait_dma2 semaphore(%arg20 : memref<!tpu.dma_semaphore, #tpu.memory_space<semaphore_mem>>) src(%dma_wait3A_82 : memref<1568xi32, #tpu.memory_space<hbm>>) dst(%dma_wait3A_81 : memref<1568xi32, #tpu.memory_space<vmem>>)
    %dma_wait3A_83 = arith.constant 0 : i32
    %dma_wait3A_84 = tpu.memref_slice %arg10[%dma_wait3A_83] : memref<2048xi32, #tpu.memory_space<vmem>> -> memref<1568xi32, #tpu.memory_space<vmem>>
    %dma_wait3A_85 = tpu.memref_slice %arg5[%add3A_54] : memref<320000xi32, #tpu.memory_space<hbm>> -> memref<1568xi32, #tpu.memory_space<hbm>>
    %dma_wait3A_86 = arith.constant 0 : i32
    %dma_wait3A_87 = tpu.memref_slice %arg10[%dma_wait3A_86] : memref<2048xi32, #tpu.memory_space<vmem>> -> memref<1568xi32, #tpu.memory_space<vmem>>
    %dma_wait3A_88 = tpu.memref_slice %arg5[%add3A_54] : memref<320000xi32, #tpu.memory_space<hbm>> -> memref<1568xi32, #tpu.memory_space<hbm>>
    tpu.wait_dma2 semaphore(%arg20 : memref<!tpu.dma_semaphore, #tpu.memory_space<semaphore_mem>>) src(%dma_wait3A_88 : memref<1568xi32, #tpu.memory_space<hbm>>) dst(%dma_wait3A_87 : memref<1568xi32, #tpu.memory_space<vmem>>)
    %scan3A_89 = arith.constant 0 : i32
    %scan3A_90 = arith.constant 98 : i32
    %scan3A_91 = arith.addi %scan3A_89, %scan3A_90 : i32
    %scan3A_92 = arith.constant 1 : i32
    %scan3A_93 = scf.for %scan3A_125 = %scan3A_89 to %scan3A_91 step %scan3A_92 iter_args(%scan3A_126 = %scan3A_51) -> (i32)  : i32 {
      %mul3A_127 = arith.constant 16 : i32
      %mul3A_128 = arith.muli %scan3A_125, %mul3A_127 : i32
      %get3A = arith.index_cast %mul3A_128 : i32 to index
      %get3A_129 = tpu.vector_load %arg8[%get3A] {strides = array<i32>} : memref<2048xi32, #tpu.memory_space<vmem>>, vector<16xi32>,
      %mul3A_130 = arith.constant 16 : i32
      %mul3A_131 = arith.muli %scan3A_125, %mul3A_130 : i32
      %get3A_132 = arith.index_cast %mul3A_131 : i32 to index
      %get3A_133 = tpu.vector_load %arg9[%get3A_132] {strides = array<i32>} : memref<2048xi32, #tpu.memory_space<vmem>>, vector<16xi32>,
      %mul3A_134 = arith.constant 16 : i32
      %mul3A_135 = arith.muli %scan3A_125, %mul3A_134 : i32
      %get3A_136 = arith.index_cast %mul3A_135 : i32 to index
      %get3A_137 = tpu.vector_load %arg10[%get3A_136] {strides = array<i32>} : memref<2048xi32, #tpu.memory_space<vmem>>, vector<16xi32>,
      %sub3A = vector.broadcast %mul3A_45 : i32 to vector<16xi32>
      %sub3A_138 = arith.subi %get3A_137, %sub3A : vector<16xi32>
      %ge3A = arith.constant 0 : i32
      %ge3A_139 = vector.broadcast %ge3A : i32 to vector<16xi32>
      %ge3A_140 = arith.cmpi sge, %sub3A_138, %ge3A_139 : vector<16xi32>
      %lt3A_141 = arith.constant 5120 : i32
      %lt3A_142 = vector.broadcast %lt3A_141 : i32 to vector<16xi32>
      %lt3A_143 = arith.cmpi slt, %sub3A_138, %lt3A_142 : vector<16xi32>
      %and3A = arith.andi %ge3A_140, %lt3A_143 : vector<16xi1>
      %mul3A_144 = arith.constant 10000 : i32
      %mul3A_145 = vector.broadcast %mul3A_144 : i32 to vector<16xi32>
      %mul3A_146 = arith.muli %get3A_133, %mul3A_145 : vector<16xi32>
      %add3A_147 = arith.addi %mul3A_146, %get3A_129 : vector<16xi32>
      %swap3A_148 = arith.index_cast %scan3A_126 : i32 to index
      %swap3A_149 = tpu.vector_load %arg11[%swap3A_148] masked %and3A {strides = array<i32>} : memref<20352xi32, #tpu.memory_space<vmem>>, vector<16xi32>, vector<16xi1>
      tpu.vector_store %arg11[%swap3A_148], %add3A_147 masked %and3A {strides = array<i32>} : memref<20352xi32, #tpu.memory_space<vmem>>, vector<16xi32>, vector<16xi1>
      %swap3A_150 = arith.index_cast %scan3A_126 : i32 to index
      %swap3A_151 = tpu.vector_load %arg12[%swap3A_150] masked %and3A {strides = array<i32>} : memref<20352xi32, #tpu.memory_space<vmem>>, vector<16xi32>, vector<16xi1>
      tpu.vector_store %arg12[%swap3A_150], %sub3A_138 masked %and3A {strides = array<i32>} : memref<20352xi32, #tpu.memory_space<vmem>>, vector<16xi32>, vector<16xi1>
      %all_reduce_population_count3A = tpu.all_reduce %and3A {dim = 0 : i64, kind = #tpu.reduction_kind<sum>} : vector<16xi1> -> vector<16xi32>
      %slice3A = vector.extract_strided_slice %all_reduce_population_count3A {offsets = [0], sizes = [1], strides = [1]} : vector<16xi32> to vector<1xi32>
      %squeeze3A = vector.extract %slice3A[0] : i32 from vector<1xi32>
      %add3A_152 = arith.addi %scan3A_126, %squeeze3A : i32
      scf.yield %add3A_152 : i32
    }
    %scan3A_94 = arith.constant 98 : i32
    %add3A_95 = arith.constant 127 : i32
    %add3A_96 = arith.addi %scan3A_93, %add3A_95 : i32
    %div3A = arith.constant 128 : i32
    %div3A_97 = arith.divsi %add3A_96, %div3A : i32
    %barrier3A = arith.constant 0 : index
    tpu.barrier barrier_id(%barrier3A)
    %while3A = arith.constant 0 : i32
    %while3A_98 = arith.constant 0 : i32
    %while3A_99 = arith.subi %div3A_97, %while3A_98 : i32
    %while3A_100 = arith.addi %while3A_98, %while3A_99 : i32
    %while3A_101 = arith.constant 1 : i32
    %while3A_102 = arith.divsi %while3A_99, %while3A_101 : i32
    %while3A_103 = arith.muli %while3A_102, %while3A_101 : i32
    %while3A_104 = arith.addi %while3A_98, %while3A_103 : i32
    %while3A_105 = arith.constant 1 : i32
    scf.for %while3A_125 = %while3A_98 to %while3A_104 step %while3A_105  : i32 {
      %mul3A_126 = arith.constant 128 : i32
      %mul3A_127 = arith.muli %while3A_125, %mul3A_126 : i32
      %dma_start3A_128 = tpu.memref_slice %arg11[%mul3A_127] : memref<20352xi32, #tpu.memory_space<vmem>> -> memref<128xi32, #tpu.memory_space<vmem>>
      %dma_start3A_129 = arith.constant 0 : i32
      %dma_start3A_130 = arith.constant 0 : i32
      %dma_start3A_131 = tpu.memref_slice %arg2[%dma_start3A_129, %dma_start3A_130] : memref<80000x128xf32, #tpu.memory_space<hbm>> -> memref<80000x128xf32, #tpu.memory_space<hbm>>
      tpu.enqueue_indirect_dma source(%dma_start3A_131 : memref<80000x128xf32, #tpu.memory_space<hbm>>) target(%arg14 : memref<128x128xf32, #tpu.memory_space<vmem>>) offsets(%dma_start3A_128 : memref<128xi32, #tpu.memory_space<vmem>>) semaphore(%arg19 : memref<!tpu.dma_semaphore, #tpu.memory_space<semaphore_mem>>)
      %mul3A_132 = arith.constant 128 : i32
      %mul3A_133 = arith.muli %while3A_125, %mul3A_132 : i32
      %add3A_134 = arith.constant 0 : i32
      %add3A_135 = arith.addi %mul3A_133, %add3A_134 : i32
      %get3A = arith.index_cast %add3A_135 : i32 to index
      %get3A_136 = tpu.vector_load %arg12[%get3A] {strides = array<i32>} : memref<20352xi32, #tpu.memory_space<vmem>>, vector<16xi32>,
      %swap3A_137 = arith.constant 0 : i32
      %swap3A_138 = arith.index_cast %swap3A_137 : i32 to index
      %swap3A_139 = arith.constant 0 : index
      %swap3A_140 = tpu.vector_load %arg13[%swap3A_138, %swap3A_139] {strides = array<i32>} : memref<1x128xi32, #tpu.memory_space<vmem>>, vector<16xi32>,
      tpu.vector_store %arg13[%swap3A_138, %swap3A_139], %get3A_136 {strides = array<i32>} : memref<1x128xi32, #tpu.memory_space<vmem>>, vector<16xi32>,
      %lt3A_141 = arith.constant 5120 : i32
      %lt3A_142 = vector.broadcast %lt3A_141 : i32 to vector<16xi32>
      %lt3A_143 = arith.cmpi slt, %get3A_136, %lt3A_142 : vector<16xi32>
      %unique3A, %unique3A_144 = tpu.scan_count mask(%lt3A_143 : vector<16xi1>) value(%get3A_136 : vector<16xi32>) : vector<16xi1>, vector<16xi32>
      %shift_right_logical3A = arith.constant 7 : i32
      %shift_right_logical3A_145 = vector.broadcast %shift_right_logical3A : i32 to vector<16xi32>
      %shift_right_logical3A_146 = arith.shrui %get3A_136, %shift_right_logical3A_145 : vector<16xi32>
      %and3A = arith.constant 127 : i32
      %and3A_147 = vector.broadcast %and3A : i32 to vector<16xi32>
      %and3A_148 = arith.andi %get3A_136, %and3A_147 : vector<16xi32>
      %convert_element_type3A_149 = arith.sitofp %unique3A_144 : vector<16xi32> to vector<16xf32>
      tpu.vector_store_idx %arg15[%shift_right_logical3A_146, %and3A_148], %convert_element_type3A_149 masked %unique3A {add = true} : memref<40x128xf32, #tpu.memory_space<vmem>>[vector<16xi32>, vector<16xi32>], vector<16xf32>, vector<16xi1>
      %mul3A_150 = arith.constant 128 : i32
      %mul3A_151 = arith.muli %while3A_125, %mul3A_150 : i32
      %add3A_152 = arith.constant 16 : i32
      %add3A_153 = arith.addi %mul3A_151, %add3A_152 : i32
      %get3A_154 = arith.index_cast %add3A_153 : i32 to index
      %get3A_155 = tpu.vector_load %arg12[%get3A_154] {strides = array<i32>} : memref<20352xi32, #tpu.memory_space<vmem>>, vector<16xi32>,
      %swap3A_156 = arith.constant 0 : i32
      %swap3A_157 = arith.index_cast %swap3A_156 : i32 to index
      %swap3A_158 = arith.constant 16 : index
      %swap3A_159 = tpu.vector_load %arg13[%swap3A_157, %swap3A_158] {strides = array<i32>} : memref<1x128xi32, #tpu.memory_space<vmem>>, vector<16xi32>,
      tpu.vector_store %arg13[%swap3A_157, %swap3A_158], %get3A_155 {strides = array<i32>} : memref<1x128xi32, #tpu.memory_space<vmem>>, vector<16xi32>,
      %lt3A_160 = arith.constant 5120 : i32
      %lt3A_161 = vector.broadcast %lt3A_160 : i32 to vector<16xi32>
      %lt3A_162 = arith.cmpi slt, %get3A_155, %lt3A_161 : vector<16xi32>
      %unique3A_163, %unique3A_164 = tpu.scan_count mask(%lt3A_162 : vector<16xi1>) value(%get3A_155 : vector<16xi32>) : vector<16xi1>, vector<16xi32>
      %shift_right_logical3A_165 = arith.constant 7 : i32
      %shift_right_logical3A_166 = vector.broadcast %shift_right_logical3A_165 : i32 to vector<16xi32>
      %shift_right_logical3A_167 = arith.shrui %get3A_155, %shift_right_logical3A_166 : vector<16xi32>
      %and3A_168 = arith.constant 127 : i32
      %and3A_169 = vector.broadcast %and3A_168 : i32 to vector<16xi32>
      %and3A_170 = arith.andi %get3A_155, %and3A_169 : vector<16xi32>
      %convert_element_type3A_171 = arith.sitofp %unique3A_164 : vector<16xi32> to vector<16xf32>
      tpu.vector_store_idx %arg15[%shift_right_logical3A_167, %and3A_170], %convert_element_type3A_171 masked %unique3A_163 {add = true} : memref<40x128xf32, #tpu.memory_space<vmem>>[vector<16xi32>, vector<16xi32>], vector<16xf32>, vector<16xi1>
      %mul3A_172 = arith.constant 128 : i32
      %mul3A_173 = arith.muli %while3A_125, %mul3A_172 : i32
      %add3A_174 = arith.constant 32 : i32
      %add3A_175 = arith.addi %mul3A_173, %add3A_174 : i32
      %get3A_176 = arith.index_cast %add3A_175 : i32 to index
      %get3A_177 = tpu.vector_load %arg12[%get3A_176] {strides = array<i32>} : memref<20352xi32, #tpu.memory_space<vmem>>, vector<16xi32>,
      %swap3A_178 = arith.constant 0 : i32
      %swap3A_179 = arith.index_cast %swap3A_178 : i32 to index
      %swap3A_180 = arith.constant 32 : index
      %swap3A_181 = tpu.vector_load %arg13[%swap3A_179, %swap3A_180] {strides = array<i32>} : memref<1x128xi32, #tpu.memory_space<vmem>>, vector<16xi32>,
      tpu.vector_store %arg13[%swap3A_179, %swap3A_180], %get3A_177 {strides = array<i32>} : memref<1x128xi32, #tpu.memory_space<vmem>>, vector<16xi32>,
      %lt3A_182 = arith.constant 5120 : i32
      %lt3A_183 = vector.broadcast %lt3A_182 : i32 to vector<16xi32>
      %lt3A_184 = arith.cmpi slt, %get3A_177, %lt3A_183 : vector<16xi32>
      %unique3A_185, %unique3A_186 = tpu.scan_count mask(%lt3A_184 : vector<16xi1>) value(%get3A_177 : vector<16xi32>) : vector<16xi1>, vector<16xi32>
      %shift_right_logical3A_187 = arith.constant 7 : i32
      %shift_right_logical3A_188 = vector.broadcast %shift_right_logical3A_187 : i32 to vector<16xi32>
      %shift_right_logical3A_189 = arith.shrui %get3A_177, %shift_right_logical3A_188 : vector<16xi32>
      %and3A_190 = arith.constant 127 : i32
      %and3A_191 = vector.broadcast %and3A_190 : i32 to vector<16xi32>
      %and3A_192 = arith.andi %get3A_177, %and3A_191 : vector<16xi32>
      %convert_element_type3A_193 = arith.sitofp %unique3A_186 : vector<16xi32> to vector<16xf32>
      tpu.vector_store_idx %arg15[%shift_right_logical3A_189, %and3A_192], %convert_element_type3A_193 masked %unique3A_185 {add = true} : memref<40x128xf32, #tpu.memory_space<vmem>>[vector<16xi32>, vector<16xi32>], vector<16xf32>, vector<16xi1>
      %mul3A_194 = arith.constant 128 : i32
      %mul3A_195 = arith.muli %while3A_125, %mul3A_194 : i32
      %add3A_196 = arith.constant 48 : i32
      %add3A_197 = arith.addi %mul3A_195, %add3A_196 : i32
      %get3A_198 = arith.index_cast %add3A_197 : i32 to index
      %get3A_199 = tpu.vector_load %arg12[%get3A_198] {strides = array<i32>} : memref<20352xi32, #tpu.memory_space<vmem>>, vector<16xi32>,
      %swap3A_200 = arith.constant 0 : i32
      %swap3A_201 = arith.index_cast %swap3A_200 : i32 to index
      %swap3A_202 = arith.constant 48 : index
      %swap3A_203 = tpu.vector_load %arg13[%swap3A_201, %swap3A_202] {strides = array<i32>} : memref<1x128xi32, #tpu.memory_space<vmem>>, vector<16xi32>,
      tpu.vector_store %arg13[%swap3A_201, %swap3A_202], %get3A_199 {strides = array<i32>} : memref<1x128xi32, #tpu.memory_space<vmem>>, vector<16xi32>,
      %lt3A_204 = arith.constant 5120 : i32
      %lt3A_205 = vector.broadcast %lt3A_204 : i32 to vector<16xi32>
      %lt3A_206 = arith.cmpi slt, %get3A_199, %lt3A_205 : vector<16xi32>
      %unique3A_207, %unique3A_208 = tpu.scan_count mask(%lt3A_206 : vector<16xi1>) value(%get3A_199 : vector<16xi32>) : vector<16xi1>, vector<16xi32>
      %shift_right_logical3A_209 = arith.constant 7 : i32
      %shift_right_logical3A_210 = vector.broadcast %shift_right_logical3A_209 : i32 to vector<16xi32>
      %shift_right_logical3A_211 = arith.shrui %get3A_199, %shift_right_logical3A_210 : vector<16xi32>
      %and3A_212 = arith.constant 127 : i32
      %and3A_213 = vector.broadcast %and3A_212 : i32 to vector<16xi32>
      %and3A_214 = arith.andi %get3A_199, %and3A_213 : vector<16xi32>
      %convert_element_type3A_215 = arith.sitofp %unique3A_208 : vector<16xi32> to vector<16xf32>
      tpu.vector_store_idx %arg15[%shift_right_logical3A_211, %and3A_214], %convert_element_type3A_215 masked %unique3A_207 {add = true} : memref<40x128xf32, #tpu.memory_space<vmem>>[vector<16xi32>, vector<16xi32>], vector<16xf32>, vector<16xi1>
      %mul3A_216 = arith.constant 128 : i32
      %mul3A_217 = arith.muli %while3A_125, %mul3A_216 : i32
      %add3A_218 = arith.constant 64 : i32
      %add3A_219 = arith.addi %mul3A_217, %add3A_218 : i32
      %get3A_220 = arith.index_cast %add3A_219 : i32 to index
      %get3A_221 = tpu.vector_load %arg12[%get3A_220] {strides = array<i32>} : memref<20352xi32, #tpu.memory_space<vmem>>, vector<16xi32>,
      %swap3A_222 = arith.constant 0 : i32
      %swap3A_223 = arith.index_cast %swap3A_222 : i32 to index
      %swap3A_224 = arith.constant 64 : index
      %swap3A_225 = tpu.vector_load %arg13[%swap3A_223, %swap3A_224] {strides = array<i32>} : memref<1x128xi32, #tpu.memory_space<vmem>>, vector<16xi32>,
      tpu.vector_store %arg13[%swap3A_223, %swap3A_224], %get3A_221 {strides = array<i32>} : memref<1x128xi32, #tpu.memory_space<vmem>>, vector<16xi32>,
      %lt3A_226 = arith.constant 5120 : i32
      %lt3A_227 = vector.broadcast %lt3A_226 : i32 to vector<16xi32>
      %lt3A_228 = arith.cmpi slt, %get3A_221, %lt3A_227 : vector<16xi32>
      %unique3A_229, %unique3A_230 = tpu.scan_count mask(%lt3A_228 : vector<16xi1>) value(%get3A_221 : vector<16xi32>) : vector<16xi1>, vector<16xi32>
      %shift_right_logical3A_231 = arith.constant 7 : i32
      %shift_right_logical3A_232 = vector.broadcast %shift_right_logical3A_231 : i32 to vector<16xi32>
      %shift_right_logical3A_233 = arith.shrui %get3A_221, %shift_right_logical3A_232 : vector<16xi32>
      %and3A_234 = arith.constant 127 : i32
      %and3A_235 = vector.broadcast %and3A_234 : i32 to vector<16xi32>
      %and3A_236 = arith.andi %get3A_221, %and3A_235 : vector<16xi32>
      %convert_element_type3A_237 = arith.sitofp %unique3A_230 : vector<16xi32> to vector<16xf32>
      tpu.vector_store_idx %arg15[%shift_right_logical3A_233, %and3A_236], %convert_element_type3A_237 masked %unique3A_229 {add = true} : memref<40x128xf32, #tpu.memory_space<vmem>>[vector<16xi32>, vector<16xi32>], vector<16xf32>, vector<16xi1>
      %mul3A_238 = arith.constant 128 : i32
      %mul3A_239 = arith.muli %while3A_125, %mul3A_238 : i32
      %add3A_240 = arith.constant 80 : i32
      %add3A_241 = arith.addi %mul3A_239, %add3A_240 : i32
      %get3A_242 = arith.index_cast %add3A_241 : i32 to index
      %get3A_243 = tpu.vector_load %arg12[%get3A_242] {strides = array<i32>} : memref<20352xi32, #tpu.memory_space<vmem>>, vector<16xi32>,
      %swap3A_244 = arith.constant 0 : i32
      %swap3A_245 = arith.index_cast %swap3A_244 : i32 to index
      %swap3A_246 = arith.constant 80 : index
      %swap3A_247 = tpu.vector_load %arg13[%swap3A_245, %swap3A_246] {strides = array<i32>} : memref<1x128xi32, #tpu.memory_space<vmem>>, vector<16xi32>,
      tpu.vector_store %arg13[%swap3A_245, %swap3A_246], %get3A_243 {strides = array<i32>} : memref<1x128xi32, #tpu.memory_space<vmem>>, vector<16xi32>,
      %lt3A_248 = arith.constant 5120 : i32
      %lt3A_249 = vector.broadcast %lt3A_248 : i32 to vector<16xi32>
      %lt3A_250 = arith.cmpi slt, %get3A_243, %lt3A_249 : vector<16xi32>
      %unique3A_251, %unique3A_252 = tpu.scan_count mask(%lt3A_250 : vector<16xi1>) value(%get3A_243 : vector<16xi32>) : vector<16xi1>, vector<16xi32>
      %shift_right_logical3A_253 = arith.constant 7 : i32
      %shift_right_logical3A_254 = vector.broadcast %shift_right_logical3A_253 : i32 to vector<16xi32>
      %shift_right_logical3A_255 = arith.shrui %get3A_243, %shift_right_logical3A_254 : vector<16xi32>
      %and3A_256 = arith.constant 127 : i32
      %and3A_257 = vector.broadcast %and3A_256 : i32 to vector<16xi32>
      %and3A_258 = arith.andi %get3A_243, %and3A_257 : vector<16xi32>
      %convert_element_type3A_259 = arith.sitofp %unique3A_252 : vector<16xi32> to vector<16xf32>
      tpu.vector_store_idx %arg15[%shift_right_logical3A_255, %and3A_258], %convert_element_type3A_259 masked %unique3A_251 {add = true} : memref<40x128xf32, #tpu.memory_space<vmem>>[vector<16xi32>, vector<16xi32>], vector<16xf32>, vector<16xi1>
      %mul3A_260 = arith.constant 128 : i32
      %mul3A_261 = arith.muli %while3A_125, %mul3A_260 : i32
      %add3A_262 = arith.constant 96 : i32
      %add3A_263 = arith.addi %mul3A_261, %add3A_262 : i32
      %get3A_264 = arith.index_cast %add3A_263 : i32 to index
      %get3A_265 = tpu.vector_load %arg12[%get3A_264] {strides = array<i32>} : memref<20352xi32, #tpu.memory_space<vmem>>, vector<16xi32>,
      %swap3A_266 = arith.constant 0 : i32
      %swap3A_267 = arith.index_cast %swap3A_266 : i32 to index
      %swap3A_268 = arith.constant 96 : index
      %swap3A_269 = tpu.vector_load %arg13[%swap3A_267, %swap3A_268] {strides = array<i32>} : memref<1x128xi32, #tpu.memory_space<vmem>>, vector<16xi32>,
      tpu.vector_store %arg13[%swap3A_267, %swap3A_268], %get3A_265 {strides = array<i32>} : memref<1x128xi32, #tpu.memory_space<vmem>>, vector<16xi32>,
      %lt3A_270 = arith.constant 5120 : i32
      %lt3A_271 = vector.broadcast %lt3A_270 : i32 to vector<16xi32>
      %lt3A_272 = arith.cmpi slt, %get3A_265, %lt3A_271 : vector<16xi32>
      %unique3A_273, %unique3A_274 = tpu.scan_count mask(%lt3A_272 : vector<16xi1>) value(%get3A_265 : vector<16xi32>) : vector<16xi1>, vector<16xi32>
      %shift_right_logical3A_275 = arith.constant 7 : i32
      %shift_right_logical3A_276 = vector.broadcast %shift_right_logical3A_275 : i32 to vector<16xi32>
      %shift_right_logical3A_277 = arith.shrui %get3A_265, %shift_right_logical3A_276 : vector<16xi32>
      %and3A_278 = arith.constant 127 : i32
      %and3A_279 = vector.broadcast %and3A_278 : i32 to vector<16xi32>
      %and3A_280 = arith.andi %get3A_265, %and3A_279 : vector<16xi32>
      %convert_element_type3A_281 = arith.sitofp %unique3A_274 : vector<16xi32> to vector<16xf32>
      tpu.vector_store_idx %arg15[%shift_right_logical3A_277, %and3A_280], %convert_element_type3A_281 masked %unique3A_273 {add = true} : memref<40x128xf32, #tpu.memory_space<vmem>>[vector<16xi32>, vector<16xi32>], vector<16xf32>, vector<16xi1>
      %mul3A_282 = arith.constant 128 : i32
      %mul3A_283 = arith.muli %while3A_125, %mul3A_282 : i32
      %add3A_284 = arith.constant 112 : i32
      %add3A_285 = arith.addi %mul3A_283, %add3A_284 : i32
      %get3A_286 = arith.index_cast %add3A_285 : i32 to index
      %get3A_287 = tpu.vector_load %arg12[%get3A_286] {strides = array<i32>} : memref<20352xi32, #tpu.memory_space<vmem>>, vector<16xi32>,
      %swap3A_288 = arith.constant 0 : i32
      %swap3A_289 = arith.index_cast %swap3A_288 : i32 to index
      %swap3A_290 = arith.constant 112 : index
      %swap3A_291 = tpu.vector_load %arg13[%swap3A_289, %swap3A_290] {strides = array<i32>} : memref<1x128xi32, #tpu.memory_space<vmem>>, vector<16xi32>,
      tpu.vector_store %arg13[%swap3A_289, %swap3A_290], %get3A_287 {strides = array<i32>} : memref<1x128xi32, #tpu.memory_space<vmem>>, vector<16xi32>,
      %lt3A_292 = arith.constant 5120 : i32
      %lt3A_293 = vector.broadcast %lt3A_292 : i32 to vector<16xi32>
      %lt3A_294 = arith.cmpi slt, %get3A_287, %lt3A_293 : vector<16xi32>
      %unique3A_295, %unique3A_296 = tpu.scan_count mask(%lt3A_294 : vector<16xi1>) value(%get3A_287 : vector<16xi32>) : vector<16xi1>, vector<16xi32>
      %shift_right_logical3A_297 = arith.constant 7 : i32
      %shift_right_logical3A_298 = vector.broadcast %shift_right_logical3A_297 : i32 to vector<16xi32>
      %shift_right_logical3A_299 = arith.shrui %get3A_287, %shift_right_logical3A_298 : vector<16xi32>
      %and3A_300 = arith.constant 127 : i32
      %and3A_301 = vector.broadcast %and3A_300 : i32 to vector<16xi32>
      %and3A_302 = arith.andi %get3A_287, %and3A_301 : vector<16xi32>
      %convert_element_type3A_303 = arith.sitofp %unique3A_296 : vector<16xi32> to vector<16xf32>
      tpu.vector_store_idx %arg15[%shift_right_logical3A_299, %and3A_302], %convert_element_type3A_303 masked %unique3A_295 {add = true} : memref<40x128xf32, #tpu.memory_space<vmem>>[vector<16xi32>, vector<16xi32>], vector<16xf32>, vector<16xi1>
      %dma_wait3A_304 = tpu.memref_slice %arg11[%mul3A_127] : memref<20352xi32, #tpu.memory_space<vmem>> -> memref<128xi32, #tpu.memory_space<vmem>>
      %dma_wait3A_305 = arith.constant 0 : i32
      %dma_wait3A_306 = arith.constant 0 : i32
      %dma_wait3A_307 = tpu.memref_slice %arg2[%dma_wait3A_305, %dma_wait3A_306] : memref<80000x128xf32, #tpu.memory_space<hbm>> -> memref<80000x128xf32, #tpu.memory_space<hbm>>
      tpu.wait_indirect_dma semaphore(%arg19 : memref<!tpu.dma_semaphore, #tpu.memory_space<semaphore_mem>>) src(%dma_wait3A_307 : memref<80000x128xf32, #tpu.memory_space<hbm>>) dst(%arg14 : memref<128x128xf32, #tpu.memory_space<vmem>>)
      %run_scoped3A = arith.constant 0 : i32
      "tpu.region"() ({
        %run_scoped3A_308 = tpu.sem_alloc : memref<!tpu.dma_semaphore, #tpu.memory_space<semaphore_mem>>
        %dma_start3A_309 = arith.constant 0 : i32
        %dma_start3A_310 = tpu.memref_slice %arg13[%run_scoped3A, %dma_start3A_309] : memref<1x128xi32, #tpu.memory_space<vmem>> -> memref<1x128xi32, #tpu.memory_space<vmem>>
        %dma_start3A_311 = tpu.memref_squeeze %dma_start3A_310 : memref<1x128xi32, #tpu.memory_space<vmem>> -> memref<128xi32, #tpu.memory_space<vmem>>
        %dma_start3A_312 = arith.constant 0 : i32
        %dma_start3A_313 = arith.constant 0 : i32
        %dma_start3A_314 = tpu.memref_slice %arg17[%dma_start3A_312, %dma_start3A_313] : memref<5248x128xf32, #tpu.memory_space<vmem_shared>> -> memref<5248x128xf32, #tpu.memory_space<vmem_shared>>
        tpu.enqueue_indirect_dma source(%arg14 : memref<128x128xf32, #tpu.memory_space<vmem>>) target(%dma_start3A_314 : memref<5248x128xf32, #tpu.memory_space<vmem_shared>>) offsets(%dma_start3A_311 : memref<128xi32, #tpu.memory_space<vmem>>) semaphore(%run_scoped3A_308 : memref<!tpu.dma_semaphore, #tpu.memory_space<semaphore_mem>>) {add = true}
        %dma_wait3A_315 = arith.constant 0 : i32
        %dma_wait3A_316 = tpu.memref_slice %arg13[%run_scoped3A, %dma_wait3A_315] : memref<1x128xi32, #tpu.memory_space<vmem>> -> memref<1x128xi32, #tpu.memory_space<vmem>>
        %dma_wait3A_317 = tpu.memref_squeeze %dma_wait3A_316 : memref<1x128xi32, #tpu.memory_space<vmem>> -> memref<128xi32, #tpu.memory_space<vmem>>
        %dma_wait3A_318 = arith.constant 0 : i32
        %dma_wait3A_319 = arith.constant 0 : i32
        %dma_wait3A_320 = tpu.memref_slice %arg17[%dma_wait3A_318, %dma_wait3A_319] : memref<5248x128xf32, #tpu.memory_space<vmem_shared>> -> memref<5248x128xf32, #tpu.memory_space<vmem_shared>>
        tpu.wait_indirect_dma semaphore(%run_scoped3A_308 : memref<!tpu.dma_semaphore, #tpu.memory_space<semaphore_mem>>) src(%arg14 : memref<128x128xf32, #tpu.memory_space<vmem>>) dst(%dma_wait3A_320 : memref<5248x128xf32, #tpu.memory_space<vmem_shared>>)
        tpu.yield
      }) : () -> ()
    }
    %while3A_106 = arith.constant 1 : i32
    scf.for %while3A_125 = %while3A_104 to %while3A_100 step %while3A_106  : i32 {
      %mul3A_126 = arith.constant 128 : i32
      %mul3A_127 = arith.muli %while3A_125, %mul3A_126 : i32
      %dma_start3A_128 = tpu.memref_slice %arg11[%mul3A_127] : memref<20352xi32, #tpu.memory_space<vmem>> -> memref<128xi32, #tpu.memory_space<vmem>>
      %dma_start3A_129 = arith.constant 0 : i32
      %dma_start3A_130 = arith.constant 0 : i32
      %dma_start3A_131 = tpu.memref_slice %arg2[%dma_start3A_129, %dma_start3A_130] : memref<80000x128xf32, #tpu.memory_space<hbm>> -> memref<80000x128xf32, #tpu.memory_space<hbm>>
      tpu.enqueue_indirect_dma source(%dma_start3A_131 : memref<80000x128xf32, #tpu.memory_space<hbm>>) target(%arg14 : memref<128x128xf32, #tpu.memory_space<vmem>>) offsets(%dma_start3A_128 : memref<128xi32, #tpu.memory_space<vmem>>) semaphore(%arg19 : memref<!tpu.dma_semaphore, #tpu.memory_space<semaphore_mem>>)
      %mul3A_132 = arith.constant 128 : i32
      %mul3A_133 = arith.muli %while3A_125, %mul3A_132 : i32
      %add3A_134 = arith.constant 0 : i32
      %add3A_135 = arith.addi %mul3A_133, %add3A_134 : i32
      %get3A = arith.index_cast %add3A_135 : i32 to index
      %get3A_136 = tpu.vector_load %arg12[%get3A] {strides = array<i32>} : memref<20352xi32, #tpu.memory_space<vmem>>, vector<16xi32>,
      %swap3A_137 = arith.constant 0 : i32
      %swap3A_138 = arith.index_cast %swap3A_137 : i32 to index
      %swap3A_139 = arith.constant 0 : index
      %swap3A_140 = tpu.vector_load %arg13[%swap3A_138, %swap3A_139] {strides = array<i32>} : memref<1x128xi32, #tpu.memory_space<vmem>>, vector<16xi32>,
      tpu.vector_store %arg13[%swap3A_138, %swap3A_139], %get3A_136 {strides = array<i32>} : memref<1x128xi32, #tpu.memory_space<vmem>>, vector<16xi32>,
      %lt3A_141 = arith.constant 5120 : i32
      %lt3A_142 = vector.broadcast %lt3A_141 : i32 to vector<16xi32>
      %lt3A_143 = arith.cmpi slt, %get3A_136, %lt3A_142 : vector<16xi32>
      %unique3A, %unique3A_144 = tpu.scan_count mask(%lt3A_143 : vector<16xi1>) value(%get3A_136 : vector<16xi32>) : vector<16xi1>, vector<16xi32>
      %shift_right_logical3A = arith.constant 7 : i32
      %shift_right_logical3A_145 = vector.broadcast %shift_right_logical3A : i32 to vector<16xi32>
      %shift_right_logical3A_146 = arith.shrui %get3A_136, %shift_right_logical3A_145 : vector<16xi32>
      %and3A = arith.constant 127 : i32
      %and3A_147 = vector.broadcast %and3A : i32 to vector<16xi32>
      %and3A_148 = arith.andi %get3A_136, %and3A_147 : vector<16xi32>
      %convert_element_type3A_149 = arith.sitofp %unique3A_144 : vector<16xi32> to vector<16xf32>
      tpu.vector_store_idx %arg15[%shift_right_logical3A_146, %and3A_148], %convert_element_type3A_149 masked %unique3A {add = true} : memref<40x128xf32, #tpu.memory_space<vmem>>[vector<16xi32>, vector<16xi32>], vector<16xf32>, vector<16xi1>
      %mul3A_150 = arith.constant 128 : i32
      %mul3A_151 = arith.muli %while3A_125, %mul3A_150 : i32
      %add3A_152 = arith.constant 16 : i32
      %add3A_153 = arith.addi %mul3A_151, %add3A_152 : i32
      %get3A_154 = arith.index_cast %add3A_153 : i32 to index
      %get3A_155 = tpu.vector_load %arg12[%get3A_154] {strides = array<i32>} : memref<20352xi32, #tpu.memory_space<vmem>>, vector<16xi32>,
      %swap3A_156 = arith.constant 0 : i32
      %swap3A_157 = arith.index_cast %swap3A_156 : i32 to index
      %swap3A_158 = arith.constant 16 : index
      %swap3A_159 = tpu.vector_load %arg13[%swap3A_157, %swap3A_158] {strides = array<i32>} : memref<1x128xi32, #tpu.memory_space<vmem>>, vector<16xi32>,
      tpu.vector_store %arg13[%swap3A_157, %swap3A_158], %get3A_155 {strides = array<i32>} : memref<1x128xi32, #tpu.memory_space<vmem>>, vector<16xi32>,
      %lt3A_160 = arith.constant 5120 : i32
      %lt3A_161 = vector.broadcast %lt3A_160 : i32 to vector<16xi32>
      %lt3A_162 = arith.cmpi slt, %get3A_155, %lt3A_161 : vector<16xi32>
      %unique3A_163, %unique3A_164 = tpu.scan_count mask(%lt3A_162 : vector<16xi1>) value(%get3A_155 : vector<16xi32>) : vector<16xi1>, vector<16xi32>
      %shift_right_logical3A_165 = arith.constant 7 : i32
      %shift_right_logical3A_166 = vector.broadcast %shift_right_logical3A_165 : i32 to vector<16xi32>
      %shift_right_logical3A_167 = arith.shrui %get3A_155, %shift_right_logical3A_166 : vector<16xi32>
      %and3A_168 = arith.constant 127 : i32
      %and3A_169 = vector.broadcast %and3A_168 : i32 to vector<16xi32>
      %and3A_170 = arith.andi %get3A_155, %and3A_169 : vector<16xi32>
      %convert_element_type3A_171 = arith.sitofp %unique3A_164 : vector<16xi32> to vector<16xf32>
      tpu.vector_store_idx %arg15[%shift_right_logical3A_167, %and3A_170], %convert_element_type3A_171 masked %unique3A_163 {add = true} : memref<40x128xf32, #tpu.memory_space<vmem>>[vector<16xi32>, vector<16xi32>], vector<16xf32>, vector<16xi1>
      %mul3A_172 = arith.constant 128 : i32
      %mul3A_173 = arith.muli %while3A_125, %mul3A_172 : i32
      %add3A_174 = arith.constant 32 : i32
      %add3A_175 = arith.addi %mul3A_173, %add3A_174 : i32
      %get3A_176 = arith.index_cast %add3A_175 : i32 to index
      %get3A_177 = tpu.vector_load %arg12[%get3A_176] {strides = array<i32>} : memref<20352xi32, #tpu.memory_space<vmem>>, vector<16xi32>,
      %swap3A_178 = arith.constant 0 : i32
      %swap3A_179 = arith.index_cast %swap3A_178 : i32 to index
      %swap3A_180 = arith.constant 32 : index
      %swap3A_181 = tpu.vector_load %arg13[%swap3A_179, %swap3A_180] {strides = array<i32>} : memref<1x128xi32, #tpu.memory_space<vmem>>, vector<16xi32>,
      tpu.vector_store %arg13[%swap3A_179, %swap3A_180], %get3A_177 {strides = array<i32>} : memref<1x128xi32, #tpu.memory_space<vmem>>, vector<16xi32>,
      %lt3A_182 = arith.constant 5120 : i32
      %lt3A_183 = vector.broadcast %lt3A_182 : i32 to vector<16xi32>
      %lt3A_184 = arith.cmpi slt, %get3A_177, %lt3A_183 : vector<16xi32>
      %unique3A_185, %unique3A_186 = tpu.scan_count mask(%lt3A_184 : vector<16xi1>) value(%get3A_177 : vector<16xi32>) : vector<16xi1>, vector<16xi32>
      %shift_right_logical3A_187 = arith.constant 7 : i32
      %shift_right_logical3A_188 = vector.broadcast %shift_right_logical3A_187 : i32 to vector<16xi32>
      %shift_right_logical3A_189 = arith.shrui %get3A_177, %shift_right_logical3A_188 : vector<16xi32>
      %and3A_190 = arith.constant 127 : i32
      %and3A_191 = vector.broadcast %and3A_190 : i32 to vector<16xi32>
      %and3A_192 = arith.andi %get3A_177, %and3A_191 : vector<16xi32>
      %convert_element_type3A_193 = arith.sitofp %unique3A_186 : vector<16xi32> to vector<16xf32>
      tpu.vector_store_idx %arg15[%shift_right_logical3A_189, %and3A_192], %convert_element_type3A_193 masked %unique3A_185 {add = true} : memref<40x128xf32, #tpu.memory_space<vmem>>[vector<16xi32>, vector<16xi32>], vector<16xf32>, vector<16xi1>
      %mul3A_194 = arith.constant 128 : i32
      %mul3A_195 = arith.muli %while3A_125, %mul3A_194 : i32
      %add3A_196 = arith.constant 48 : i32
      %add3A_197 = arith.addi %mul3A_195, %add3A_196 : i32
      %get3A_198 = arith.index_cast %add3A_197 : i32 to index
      %get3A_199 = tpu.vector_load %arg12[%get3A_198] {strides = array<i32>} : memref<20352xi32, #tpu.memory_space<vmem>>, vector<16xi32>,
      %swap3A_200 = arith.constant 0 : i32
      %swap3A_201 = arith.index_cast %swap3A_200 : i32 to index
      %swap3A_202 = arith.constant 48 : index
      %swap3A_203 = tpu.vector_load %arg13[%swap3A_201, %swap3A_202] {strides = array<i32>} : memref<1x128xi32, #tpu.memory_space<vmem>>, vector<16xi32>,
      tpu.vector_store %arg13[%swap3A_201, %swap3A_202], %get3A_199 {strides = array<i32>} : memref<1x128xi32, #tpu.memory_space<vmem>>, vector<16xi32>,
      %lt3A_204 = arith.constant 5120 : i32
      %lt3A_205 = vector.broadcast %lt3A_204 : i32 to vector<16xi32>
      %lt3A_206 = arith.cmpi slt, %get3A_199, %lt3A_205 : vector<16xi32>
      %unique3A_207, %unique3A_208 = tpu.scan_count mask(%lt3A_206 : vector<16xi1>) value(%get3A_199 : vector<16xi32>) : vector<16xi1>, vector<16xi32>
      %shift_right_logical3A_209 = arith.constant 7 : i32
      %shift_right_logical3A_210 = vector.broadcast %shift_right_logical3A_209 : i32 to vector<16xi32>
      %shift_right_logical3A_211 = arith.shrui %get3A_199, %shift_right_logical3A_210 : vector<16xi32>
      %and3A_212 = arith.constant 127 : i32
      %and3A_213 = vector.broadcast %and3A_212 : i32 to vector<16xi32>
      %and3A_214 = arith.andi %get3A_199, %and3A_213 : vector<16xi32>
      %convert_element_type3A_215 = arith.sitofp %unique3A_208 : vector<16xi32> to vector<16xf32>
      tpu.vector_store_idx %arg15[%shift_right_logical3A_211, %and3A_214], %convert_element_type3A_215 masked %unique3A_207 {add = true} : memref<40x128xf32, #tpu.memory_space<vmem>>[vector<16xi32>, vector<16xi32>], vector<16xf32>, vector<16xi1>
      %mul3A_216 = arith.constant 128 : i32
      %mul3A_217 = arith.muli %while3A_125, %mul3A_216 : i32
      %add3A_218 = arith.constant 64 : i32
      %add3A_219 = arith.addi %mul3A_217, %add3A_218 : i32
      %get3A_220 = arith.index_cast %add3A_219 : i32 to index
      %get3A_221 = tpu.vector_load %arg12[%get3A_220] {strides = array<i32>} : memref<20352xi32, #tpu.memory_space<vmem>>, vector<16xi32>,
      %swap3A_222 = arith.constant 0 : i32
      %swap3A_223 = arith.index_cast %swap3A_222 : i32 to index
      %swap3A_224 = arith.constant 64 : index
      %swap3A_225 = tpu.vector_load %arg13[%swap3A_223, %swap3A_224] {strides = array<i32>} : memref<1x128xi32, #tpu.memory_space<vmem>>, vector<16xi32>,
      tpu.vector_store %arg13[%swap3A_223, %swap3A_224], %get3A_221 {strides = array<i32>} : memref<1x128xi32, #tpu.memory_space<vmem>>, vector<16xi32>,
      %lt3A_226 = arith.constant 5120 : i32
      %lt3A_227 = vector.broadcast %lt3A_226 : i32 to vector<16xi32>
      %lt3A_228 = arith.cmpi slt, %get3A_221, %lt3A_227 : vector<16xi32>
      %unique3A_229, %unique3A_230 = tpu.scan_count mask(%lt3A_228 : vector<16xi1>) value(%get3A_221 : vector<16xi32>) : vector<16xi1>, vector<16xi32>
      %shift_right_logical3A_231 = arith.constant 7 : i32
      %shift_right_logical3A_232 = vector.broadcast %shift_right_logical3A_231 : i32 to vector<16xi32>
      %shift_right_logical3A_233 = arith.shrui %get3A_221, %shift_right_logical3A_232 : vector<16xi32>
      %and3A_234 = arith.constant 127 : i32
      %and3A_235 = vector.broadcast %and3A_234 : i32 to vector<16xi32>
      %and3A_236 = arith.andi %get3A_221, %and3A_235 : vector<16xi32>
      %convert_element_type3A_237 = arith.sitofp %unique3A_230 : vector<16xi32> to vector<16xf32>
      tpu.vector_store_idx %arg15[%shift_right_logical3A_233, %and3A_236], %convert_element_type3A_237 masked %unique3A_229 {add = true} : memref<40x128xf32, #tpu.memory_space<vmem>>[vector<16xi32>, vector<16xi32>], vector<16xf32>, vector<16xi1>
      %mul3A_238 = arith.constant 128 : i32
      %mul3A_239 = arith.muli %while3A_125, %mul3A_238 : i32
      %add3A_240 = arith.constant 80 : i32
      %add3A_241 = arith.addi %mul3A_239, %add3A_240 : i32
      %get3A_242 = arith.index_cast %add3A_241 : i32 to index
      %get3A_243 = tpu.vector_load %arg12[%get3A_242] {strides = array<i32>} : memref<20352xi32, #tpu.memory_space<vmem>>, vector<16xi32>,
      %swap3A_244 = arith.constant 0 : i32
      %swap3A_245 = arith.index_cast %swap3A_244 : i32 to index
      %swap3A_246 = arith.constant 80 : index
      %swap3A_247 = tpu.vector_load %arg13[%swap3A_245, %swap3A_246] {strides = array<i32>} : memref<1x128xi32, #tpu.memory_space<vmem>>, vector<16xi32>,
      tpu.vector_store %arg13[%swap3A_245, %swap3A_246], %get3A_243 {strides = array<i32>} : memref<1x128xi32, #tpu.memory_space<vmem>>, vector<16xi32>,
      %lt3A_248 = arith.constant 5120 : i32
      %lt3A_249 = vector.broadcast %lt3A_248 : i32 to vector<16xi32>
      %lt3A_250 = arith.cmpi slt, %get3A_243, %lt3A_249 : vector<16xi32>
      %unique3A_251, %unique3A_252 = tpu.scan_count mask(%lt3A_250 : vector<16xi1>) value(%get3A_243 : vector<16xi32>) : vector<16xi1>, vector<16xi32>
      %shift_right_logical3A_253 = arith.constant 7 : i32
      %shift_right_logical3A_254 = vector.broadcast %shift_right_logical3A_253 : i32 to vector<16xi32>
      %shift_right_logical3A_255 = arith.shrui %get3A_243, %shift_right_logical3A_254 : vector<16xi32>
      %and3A_256 = arith.constant 127 : i32
      %and3A_257 = vector.broadcast %and3A_256 : i32 to vector<16xi32>
      %and3A_258 = arith.andi %get3A_243, %and3A_257 : vector<16xi32>
      %convert_element_type3A_259 = arith.sitofp %unique3A_252 : vector<16xi32> to vector<16xf32>
      tpu.vector_store_idx %arg15[%shift_right_logical3A_255, %and3A_258], %convert_element_type3A_259 masked %unique3A_251 {add = true} : memref<40x128xf32, #tpu.memory_space<vmem>>[vector<16xi32>, vector<16xi32>], vector<16xf32>, vector<16xi1>
      %mul3A_260 = arith.constant 128 : i32
      %mul3A_261 = arith.muli %while3A_125, %mul3A_260 : i32
      %add3A_262 = arith.constant 96 : i32
      %add3A_263 = arith.addi %mul3A_261, %add3A_262 : i32
      %get3A_264 = arith.index_cast %add3A_263 : i32 to index
      %get3A_265 = tpu.vector_load %arg12[%get3A_264] {strides = array<i32>} : memref<20352xi32, #tpu.memory_space<vmem>>, vector<16xi32>,
      %swap3A_266 = arith.constant 0 : i32
      %swap3A_267 = arith.index_cast %swap3A_266 : i32 to index
      %swap3A_268 = arith.constant 96 : index
      %swap3A_269 = tpu.vector_load %arg13[%swap3A_267, %swap3A_268] {strides = array<i32>} : memref<1x128xi32, #tpu.memory_space<vmem>>, vector<16xi32>,
      tpu.vector_store %arg13[%swap3A_267, %swap3A_268], %get3A_265 {strides = array<i32>} : memref<1x128xi32, #tpu.memory_space<vmem>>, vector<16xi32>,
      %lt3A_270 = arith.constant 5120 : i32
      %lt3A_271 = vector.broadcast %lt3A_270 : i32 to vector<16xi32>
      %lt3A_272 = arith.cmpi slt, %get3A_265, %lt3A_271 : vector<16xi32>
      %unique3A_273, %unique3A_274 = tpu.scan_count mask(%lt3A_272 : vector<16xi1>) value(%get3A_265 : vector<16xi32>) : vector<16xi1>, vector<16xi32>
      %shift_right_logical3A_275 = arith.constant 7 : i32
      %shift_right_logical3A_276 = vector.broadcast %shift_right_logical3A_275 : i32 to vector<16xi32>
      %shift_right_logical3A_277 = arith.shrui %get3A_265, %shift_right_logical3A_276 : vector<16xi32>
      %and3A_278 = arith.constant 127 : i32
      %and3A_279 = vector.broadcast %and3A_278 : i32 to vector<16xi32>
      %and3A_280 = arith.andi %get3A_265, %and3A_279 : vector<16xi32>
      %convert_element_type3A_281 = arith.sitofp %unique3A_274 : vector<16xi32> to vector<16xf32>
      tpu.vector_store_idx %arg15[%shift_right_logical3A_277, %and3A_280], %convert_element_type3A_281 masked %unique3A_273 {add = true} : memref<40x128xf32, #tpu.memory_space<vmem>>[vector<16xi32>, vector<16xi32>], vector<16xf32>, vector<16xi1>
      %mul3A_282 = arith.constant 128 : i32
      %mul3A_283 = arith.muli %while3A_125, %mul3A_282 : i32
      %add3A_284 = arith.constant 112 : i32
      %add3A_285 = arith.addi %mul3A_283, %add3A_284 : i32
      %get3A_286 = arith.index_cast %add3A_285 : i32 to index
      %get3A_287 = tpu.vector_load %arg12[%get3A_286] {strides = array<i32>} : memref<20352xi32, #tpu.memory_space<vmem>>, vector<16xi32>,
      %swap3A_288 = arith.constant 0 : i32
      %swap3A_289 = arith.index_cast %swap3A_288 : i32 to index
      %swap3A_290 = arith.constant 112 : index
      %swap3A_291 = tpu.vector_load %arg13[%swap3A_289, %swap3A_290] {strides = array<i32>} : memref<1x128xi32, #tpu.memory_space<vmem>>, vector<16xi32>,
      tpu.vector_store %arg13[%swap3A_289, %swap3A_290], %get3A_287 {strides = array<i32>} : memref<1x128xi32, #tpu.memory_space<vmem>>, vector<16xi32>,
      %lt3A_292 = arith.constant 5120 : i32
      %lt3A_293 = vector.broadcast %lt3A_292 : i32 to vector<16xi32>
      %lt3A_294 = arith.cmpi slt, %get3A_287, %lt3A_293 : vector<16xi32>
      %unique3A_295, %unique3A_296 = tpu.scan_count mask(%lt3A_294 : vector<16xi1>) value(%get3A_287 : vector<16xi32>) : vector<16xi1>, vector<16xi32>
      %shift_right_logical3A_297 = arith.constant 7 : i32
      %shift_right_logical3A_298 = vector.broadcast %shift_right_logical3A_297 : i32 to vector<16xi32>
      %shift_right_logical3A_299 = arith.shrui %get3A_287, %shift_right_logical3A_298 : vector<16xi32>
      %and3A_300 = arith.constant 127 : i32
      %and3A_301 = vector.broadcast %and3A_300 : i32 to vector<16xi32>
      %and3A_302 = arith.andi %get3A_287, %and3A_301 : vector<16xi32>
      %convert_element_type3A_303 = arith.sitofp %unique3A_296 : vector<16xi32> to vector<16xf32>
      tpu.vector_store_idx %arg15[%shift_right_logical3A_299, %and3A_302], %convert_element_type3A_303 masked %unique3A_295 {add = true} : memref<40x128xf32, #tpu.memory_space<vmem>>[vector<16xi32>, vector<16xi32>], vector<16xf32>, vector<16xi1>
      %dma_wait3A_304 = tpu.memref_slice %arg11[%mul3A_127] : memref<20352xi32, #tpu.memory_space<vmem>> -> memref<128xi32, #tpu.memory_space<vmem>>
      %dma_wait3A_305 = arith.constant 0 : i32
      %dma_wait3A_306 = arith.constant 0 : i32
      %dma_wait3A_307 = tpu.memref_slice %arg2[%dma_wait3A_305, %dma_wait3A_306] : memref<80000x128xf32, #tpu.memory_space<hbm>> -> memref<80000x128xf32, #tpu.memory_space<hbm>>
      tpu.wait_indirect_dma semaphore(%arg19 : memref<!tpu.dma_semaphore, #tpu.memory_space<semaphore_mem>>) src(%dma_wait3A_307 : memref<80000x128xf32, #tpu.memory_space<hbm>>) dst(%arg14 : memref<128x128xf32, #tpu.memory_space<vmem>>)
      %run_scoped3A = arith.constant 0 : i32
      "tpu.region"() ({
        %run_scoped3A_308 = tpu.sem_alloc : memref<!tpu.dma_semaphore, #tpu.memory_space<semaphore_mem>>
        %dma_start3A_309 = arith.constant 0 : i32
        %dma_start3A_310 = tpu.memref_slice %arg13[%run_scoped3A, %dma_start3A_309] : memref<1x128xi32, #tpu.memory_space<vmem>> -> memref<1x128xi32, #tpu.memory_space<vmem>>
        %dma_start3A_311 = tpu.memref_squeeze %dma_start3A_310 : memref<1x128xi32, #tpu.memory_space<vmem>> -> memref<128xi32, #tpu.memory_space<vmem>>
        %dma_start3A_312 = arith.constant 0 : i32
        %dma_start3A_313 = arith.constant 0 : i32
        %dma_start3A_314 = tpu.memref_slice %arg17[%dma_start3A_312, %dma_start3A_313] : memref<5248x128xf32, #tpu.memory_space<vmem_shared>> -> memref<5248x128xf32, #tpu.memory_space<vmem_shared>>
        tpu.enqueue_indirect_dma source(%arg14 : memref<128x128xf32, #tpu.memory_space<vmem>>) target(%dma_start3A_314 : memref<5248x128xf32, #tpu.memory_space<vmem_shared>>) offsets(%dma_start3A_311 : memref<128xi32, #tpu.memory_space<vmem>>) semaphore(%run_scoped3A_308 : memref<!tpu.dma_semaphore, #tpu.memory_space<semaphore_mem>>) {add = true}
        %dma_wait3A_315 = arith.constant 0 : i32
        %dma_wait3A_316 = tpu.memref_slice %arg13[%run_scoped3A, %dma_wait3A_315] : memref<1x128xi32, #tpu.memory_space<vmem>> -> memref<1x128xi32, #tpu.memory_space<vmem>>
        %dma_wait3A_317 = tpu.memref_squeeze %dma_wait3A_316 : memref<1x128xi32, #tpu.memory_space<vmem>> -> memref<128xi32, #tpu.memory_space<vmem>>
        %dma_wait3A_318 = arith.constant 0 : i32
        %dma_wait3A_319 = arith.constant 0 : i32
        %dma_wait3A_320 = tpu.memref_slice %arg17[%dma_wait3A_318, %dma_wait3A_319] : memref<5248x128xf32, #tpu.memory_space<vmem_shared>> -> memref<5248x128xf32, #tpu.memory_space<vmem_shared>>
        tpu.wait_indirect_dma semaphore(%run_scoped3A_308 : memref<!tpu.dma_semaphore, #tpu.memory_space<semaphore_mem>>) src(%arg14 : memref<128x128xf32, #tpu.memory_space<vmem>>) dst(%dma_wait3A_320 : memref<5248x128xf32, #tpu.memory_space<vmem_shared>>)
        tpu.yield
      }) : () -> ()
    }
    "tpu.region"() ({
      %run_scoped3A = tpu.sem_alloc : memref<!tpu.dma_semaphore, #tpu.memory_space<semaphore_mem>>
      %dma_start3A_125 = arith.constant 0 : i32
      %dma_start3A_126 = arith.constant 0 : i32
      %dma_start3A_127 = tpu.memref_slice %arg18[%dma_start3A_125, %dma_start3A_126] : memref<40x128xf32, #tpu.memory_space<vmem_shared>> -> memref<40x128xf32, #tpu.memory_space<vmem_shared>>
      tpu.enqueue_indirect_dma source(%arg15 : memref<40x128xf32, #tpu.memory_space<vmem>>) target(%dma_start3A_127 : memref<40x128xf32, #tpu.memory_space<vmem_shared>>) offsets(%arg16 : memref<40xi32, #tpu.memory_space<vmem>>) semaphore(%run_scoped3A : memref<!tpu.dma_semaphore, #tpu.memory_space<semaphore_mem>>) {add = true}
      %dma_wait3A_128 = arith.constant 0 : i32
      %dma_wait3A_129 = arith.constant 0 : i32
      %dma_wait3A_130 = tpu.memref_slice %arg18[%dma_wait3A_128, %dma_wait3A_129] : memref<40x128xf32, #tpu.memory_space<vmem_shared>> -> memref<40x128xf32, #tpu.memory_space<vmem_shared>>
      tpu.wait_indirect_dma semaphore(%run_scoped3A : memref<!tpu.dma_semaphore, #tpu.memory_space<semaphore_mem>>) src(%arg15 : memref<40x128xf32, #tpu.memory_space<vmem>>) dst(%dma_wait3A_130 : memref<40x128xf32, #tpu.memory_space<vmem_shared>>)
      tpu.yield
    }) : () -> ()
    %barrier3A_107 = arith.constant 0 : index
    tpu.barrier barrier_id(%barrier3A_107)
    %mul3A_108 = arith.constant 5120 : i32
    %mul3A_109 = arith.muli %arg0, %mul3A_108 : i32
    %add3A_110 = arith.addi %mul3A_109, %mul3A_35 : i32
    %lt3A = arith.constant 15 : i32
    %lt3A_111 = arith.cmpi slt, %arg1, %lt3A : i32
    %convert_element_type3A_112 = arith.extui %lt3A_111 : i1 to i32
    %cond3A_113 = arith.constant 0 : i32
    %cond3A_114 = arith.cmpi ne, %convert_element_type3A_112, %cond3A_113 : i32
    scf.if %cond3A_114 {
      "tpu.region"() ({
        %run_scoped3A = tpu.sem_alloc : memref<!tpu.dma_semaphore, #tpu.memory_space<semaphore_mem>>
        %dma_start3A_125 = arith.constant 0 : i32
        %dma_start3A_126 = tpu.memref_slice %arg6[%add3A_110, %dma_start3A_125] : memref<10240x128xf32, #tpu.memory_space<hbm>> -> memref<328x128xf32, #tpu.memory_space<hbm>>
        %dma_start3A_127 = arith.constant 0 : i32
        %dma_start3A_128 = tpu.memref_slice %arg17[%mul3A_35, %dma_start3A_127] : memref<5248x128xf32, #tpu.memory_space<vmem_shared>> -> memref<328x128xf32, #tpu.memory_space<vmem_shared>>
        tpu.enqueue_dma source(%dma_start3A_128 : memref<328x128xf32, #tpu.memory_space<vmem_shared>>) target(%dma_start3A_126 : memref<328x128xf32, #tpu.memory_space<hbm>>) target_semaphore(%run_scoped3A : memref<!tpu.dma_semaphore, #tpu.memory_space<semaphore_mem>>)
        %dma_wait3A_129 = arith.constant 0 : i32
        %dma_wait3A_130 = tpu.memref_slice %arg6[%add3A_110, %dma_wait3A_129] : memref<10240x128xf32, #tpu.memory_space<hbm>> -> memref<328x128xf32, #tpu.memory_space<hbm>>
        %dma_wait3A_131 = arith.constant 0 : i32
        %dma_wait3A_132 = tpu.memref_slice %arg17[%mul3A_35, %dma_wait3A_131] : memref<5248x128xf32, #tpu.memory_space<vmem_shared>> -> memref<328x128xf32, #tpu.memory_space<vmem_shared>>
        tpu.wait_dma2 semaphore(%run_scoped3A : memref<!tpu.dma_semaphore, #tpu.memory_space<semaphore_mem>>) src(%dma_wait3A_132 : memref<328x128xf32, #tpu.memory_space<vmem_shared>>) dst(%dma_wait3A_130 : memref<328x128xf32, #tpu.memory_space<hbm>>)
        tpu.yield
      }) : () -> ()
    } else {
    }
    %eq3A_115 = arith.constant 15 : i32
    %eq3A_116 = arith.cmpi eq, %arg1, %eq3A_115 : i32
    %convert_element_type3A_117 = arith.extui %eq3A_116 : i1 to i32
    %cond3A_118 = arith.constant 0 : i32
    %cond3A_119 = arith.cmpi ne, %convert_element_type3A_117, %cond3A_118 : i32
    scf.if %cond3A_119 {
      "tpu.region"() ({
        %run_scoped3A = tpu.sem_alloc : memref<!tpu.dma_semaphore, #tpu.memory_space<semaphore_mem>>
        %dma_start3A_125 = arith.constant 0 : i32
        %dma_start3A_126 = tpu.memref_slice %arg6[%add3A_110, %dma_start3A_125] : memref<10240x128xf32, #tpu.memory_space<hbm>> -> memref<200x128xf32, #tpu.memory_space<hbm>>
        %dma_start3A_127 = arith.constant 0 : i32
        %dma_start3A_128 = tpu.memref_slice %arg17[%mul3A_35, %dma_start3A_127] : memref<5248x128xf32, #tpu.memory_space<vmem_shared>> -> memref<200x128xf32, #tpu.memory_space<vmem_shared>>
        tpu.enqueue_dma source(%dma_start3A_128 : memref<200x128xf32, #tpu.memory_space<vmem_shared>>) target(%dma_start3A_126 : memref<200x128xf32, #tpu.memory_space<hbm>>) target_semaphore(%run_scoped3A : memref<!tpu.dma_semaphore, #tpu.memory_space<semaphore_mem>>)
        %dma_wait3A_129 = arith.constant 0 : i32
        %dma_wait3A_130 = tpu.memref_slice %arg6[%add3A_110, %dma_wait3A_129] : memref<10240x128xf32, #tpu.memory_space<hbm>> -> memref<200x128xf32, #tpu.memory_space<hbm>>
        %dma_wait3A_131 = arith.constant 0 : i32
        %dma_wait3A_132 = tpu.memref_slice %arg17[%mul3A_35, %dma_wait3A_131] : memref<5248x128xf32, #tpu.memory_space<vmem_shared>> -> memref<200x128xf32, #tpu.memory_space<vmem_shared>>
        tpu.wait_dma2 semaphore(%run_scoped3A : memref<!tpu.dma_semaphore, #tpu.memory_space<semaphore_mem>>) src(%dma_wait3A_132 : memref<200x128xf32, #tpu.memory_space<vmem_shared>>) dst(%dma_wait3A_130 : memref<200x128xf32, #tpu.memory_space<hbm>>)
        tpu.yield
      }) : () -> ()
    } else {
    }
    %eq3A_120 = arith.constant 0 : i32
    %eq3A_121 = arith.cmpi eq, %arg1, %eq3A_120 : i32
    %convert_element_type3A_122 = arith.extui %eq3A_121 : i1 to i32
    %cond3A_123 = arith.constant 0 : i32
    %cond3A_124 = arith.cmpi ne, %convert_element_type3A_122, %cond3A_123 : i32
    scf.if %cond3A_124 {
      "tpu.region"() ({
        %run_scoped3A = tpu.sem_alloc : memref<!tpu.dma_semaphore, #tpu.memory_space<semaphore_mem>>
        %dma_start3A_125 = arith.constant 0 : i32
        %dma_start3A_126 = arith.constant 0 : i32
        %dma_start3A_127 = tpu.memref_slice %arg7[%arg0, %dma_start3A_125, %dma_start3A_126] : memref<2x40x128xf32, #tpu.memory_space<hbm>> -> memref<1x40x128xf32, #tpu.memory_space<hbm>>
        %dma_start3A_128 = tpu.memref_squeeze %dma_start3A_127 : memref<1x40x128xf32, #tpu.memory_space<hbm>> -> memref<40x128xf32, #tpu.memory_space<hbm>>
        tpu.enqueue_dma source(%arg18 : memref<40x128xf32, #tpu.memory_space<vmem_shared>>) target(%dma_start3A_128 : memref<40x128xf32, #tpu.memory_space<hbm>>) target_semaphore(%run_scoped3A : memref<!tpu.dma_semaphore, #tpu.memory_space<semaphore_mem>>)
        %dma_wait3A_129 = arith.constant 0 : i32
        %dma_wait3A_130 = arith.constant 0 : i32
        %dma_wait3A_131 = tpu.memref_slice %arg7[%arg0, %dma_wait3A_129, %dma_wait3A_130] : memref<2x40x128xf32, #tpu.memory_space<hbm>> -> memref<1x40x128xf32, #tpu.memory_space<hbm>>
        %dma_wait3A_132 = tpu.memref_squeeze %dma_wait3A_131 : memref<1x40x128xf32, #tpu.memory_space<hbm>> -> memref<40x128xf32, #tpu.memory_space<hbm>>
        tpu.wait_dma2 semaphore(%run_scoped3A : memref<!tpu.dma_semaphore, #tpu.memory_space<semaphore_mem>>) src(%arg18 : memref<40x128xf32, #tpu.memory_space<vmem_shared>>) dst(%dma_wait3A_132 : memref<40x128xf32, #tpu.memory_space<hbm>>)
        tpu.yield
      }) : () -> ()
    } else {
    }
    return
  }
}

module attributes {stable_mosaic.version = 14 : i64} {
  func.func @body(%arg0: i32, %arg1: memref<1000x128xf32, #tpu.memory_space<vmem>>, %arg2: memref<8x128x128xf32, #tpu.memory_space<vmem>>, %arg3: memref<8x1000x128xf32, #tpu.memory_space<vmem>>) attributes {dimension_semantics = [#tpu.dimension_semantics<arbitrary>], iteration_bounds = array<i64: 10>, scalar_prefetch = 0 : i64, scratch_operands = 0 : i64, tpu.core_type = #tpu.core_type<tc>, window_params = [{transform_indices = @transform_0, window_bounds = array<i64: 1000, 128>}, {pipeline_mode = #tpu.pipeline_mode<synchronous>, transform_indices = @transform_1, window_bounds = array<i64: 8, 128, 128>}, {transform_indices = @transform_2, window_bounds = array<i64: 8, 1000, 128>}]} {
    %get3A = arith.constant 0 : index
    %get3A_0 = arith.constant 0 : index
    %get3A_1 = vector.load %arg1[%get3A, %get3A_0] : memref<1000x128xf32, #tpu.memory_space<vmem>>, vector<1000x128xf32>
    %get3A_2 = arith.constant 0 : index
    %get3A_3 = arith.constant 0 : index
    %get3A_4 = arith.constant 0 : index
    %get3A_5 = vector.load %arg2[%get3A_2, %get3A_3, %get3A_4] : memref<8x128x128xf32, #tpu.memory_space<vmem>>, vector<1x128x128xf32>
    %get3A_6 = vector.shape_cast %get3A_5 : vector<1x128x128xf32> to vector<128x128xf32>
    %dot_general3A = arith.constant dense<0.000000e+00> : vector<1000x128xf32>
    %dot_general3A_7 = tpu.matmul %get3A_1, %get3A_6, %dot_general3A {dimension_numbers = #tpu.dot_dimension_numbers<[1], [0], [0], [1], [0, 0, 1, 1], [], []>, transpose_lhs_hint = false} : vector<1000x128xf32>, vector<128x128xf32>, vector<1000x128xf32> -> vector<1000x128xf32>
    %swap3A = arith.constant 0 : index
    %swap3A_8 = arith.constant 0 : index
    %swap3A_9 = arith.constant 0 : index
    %swap3A_10 = vector.load %arg3[%swap3A, %swap3A_8, %swap3A_9] : memref<8x1000x128xf32, #tpu.memory_space<vmem>>, vector<1x1000x128xf32>
    %swap3A_11 = vector.shape_cast %swap3A_10 : vector<1x1000x128xf32> to vector<1000x128xf32>
    %swap3A_12 = vector.shape_cast %dot_general3A_7 : vector<1000x128xf32> to vector<1x1000x128xf32>
    tpu.vector_store %arg3[%swap3A, %swap3A_8, %swap3A_9], %swap3A_12 {strides = array<i32>} : memref<8x1000x128xf32, #tpu.memory_space<vmem>>, vector<1x1000x128xf32>,
    %get3A_13 = arith.constant 1 : index
    %get3A_14 = arith.constant 0 : index
    %get3A_15 = arith.constant 0 : index
    %get3A_16 = vector.load %arg2[%get3A_13, %get3A_14, %get3A_15] : memref<8x128x128xf32, #tpu.memory_space<vmem>>, vector<1x128x128xf32>
    %get3A_17 = vector.shape_cast %get3A_16 : vector<1x128x128xf32> to vector<128x128xf32>
    %dot_general3A_18 = arith.constant dense<0.000000e+00> : vector<1000x128xf32>
    %dot_general3A_19 = tpu.matmul %get3A_1, %get3A_17, %dot_general3A_18 {dimension_numbers = #tpu.dot_dimension_numbers<[1], [0], [0], [1], [0, 0, 1, 1], [], []>, transpose_lhs_hint = false} : vector<1000x128xf32>, vector<128x128xf32>, vector<1000x128xf32> -> vector<1000x128xf32>
    %swap3A_20 = arith.constant 1 : index
    %swap3A_21 = arith.constant 0 : index
    %swap3A_22 = arith.constant 0 : index
    %swap3A_23 = vector.load %arg3[%swap3A_20, %swap3A_21, %swap3A_22] : memref<8x1000x128xf32, #tpu.memory_space<vmem>>, vector<1x1000x128xf32>
    %swap3A_24 = vector.shape_cast %swap3A_23 : vector<1x1000x128xf32> to vector<1000x128xf32>
    %swap3A_25 = vector.shape_cast %dot_general3A_19 : vector<1000x128xf32> to vector<1x1000x128xf32>
    tpu.vector_store %arg3[%swap3A_20, %swap3A_21, %swap3A_22], %swap3A_25 {strides = array<i32>} : memref<8x1000x128xf32, #tpu.memory_space<vmem>>, vector<1x1000x128xf32>,
    %get3A_26 = arith.constant 2 : index
    %get3A_27 = arith.constant 0 : index
    %get3A_28 = arith.constant 0 : index
    %get3A_29 = vector.load %arg2[%get3A_26, %get3A_27, %get3A_28] : memref<8x128x128xf32, #tpu.memory_space<vmem>>, vector<1x128x128xf32>
    %get3A_30 = vector.shape_cast %get3A_29 : vector<1x128x128xf32> to vector<128x128xf32>
    %dot_general3A_31 = arith.constant dense<0.000000e+00> : vector<1000x128xf32>
    %dot_general3A_32 = tpu.matmul %get3A_1, %get3A_30, %dot_general3A_31 {dimension_numbers = #tpu.dot_dimension_numbers<[1], [0], [0], [1], [0, 0, 1, 1], [], []>, transpose_lhs_hint = false} : vector<1000x128xf32>, vector<128x128xf32>, vector<1000x128xf32> -> vector<1000x128xf32>
    %swap3A_33 = arith.constant 2 : index
    %swap3A_34 = arith.constant 0 : index
    %swap3A_35 = arith.constant 0 : index
    %swap3A_36 = vector.load %arg3[%swap3A_33, %swap3A_34, %swap3A_35] : memref<8x1000x128xf32, #tpu.memory_space<vmem>>, vector<1x1000x128xf32>
    %swap3A_37 = vector.shape_cast %swap3A_36 : vector<1x1000x128xf32> to vector<1000x128xf32>
    %swap3A_38 = vector.shape_cast %dot_general3A_32 : vector<1000x128xf32> to vector<1x1000x128xf32>
    tpu.vector_store %arg3[%swap3A_33, %swap3A_34, %swap3A_35], %swap3A_38 {strides = array<i32>} : memref<8x1000x128xf32, #tpu.memory_space<vmem>>, vector<1x1000x128xf32>,
    %get3A_39 = arith.constant 3 : index
    %get3A_40 = arith.constant 0 : index
    %get3A_41 = arith.constant 0 : index
    %get3A_42 = vector.load %arg2[%get3A_39, %get3A_40, %get3A_41] : memref<8x128x128xf32, #tpu.memory_space<vmem>>, vector<1x128x128xf32>
    %get3A_43 = vector.shape_cast %get3A_42 : vector<1x128x128xf32> to vector<128x128xf32>
    %dot_general3A_44 = arith.constant dense<0.000000e+00> : vector<1000x128xf32>
    %dot_general3A_45 = tpu.matmul %get3A_1, %get3A_43, %dot_general3A_44 {dimension_numbers = #tpu.dot_dimension_numbers<[1], [0], [0], [1], [0, 0, 1, 1], [], []>, transpose_lhs_hint = false} : vector<1000x128xf32>, vector<128x128xf32>, vector<1000x128xf32> -> vector<1000x128xf32>
    %swap3A_46 = arith.constant 3 : index
    %swap3A_47 = arith.constant 0 : index
    %swap3A_48 = arith.constant 0 : index
    %swap3A_49 = vector.load %arg3[%swap3A_46, %swap3A_47, %swap3A_48] : memref<8x1000x128xf32, #tpu.memory_space<vmem>>, vector<1x1000x128xf32>
    %swap3A_50 = vector.shape_cast %swap3A_49 : vector<1x1000x128xf32> to vector<1000x128xf32>
    %swap3A_51 = vector.shape_cast %dot_general3A_45 : vector<1000x128xf32> to vector<1x1000x128xf32>
    tpu.vector_store %arg3[%swap3A_46, %swap3A_47, %swap3A_48], %swap3A_51 {strides = array<i32>} : memref<8x1000x128xf32, #tpu.memory_space<vmem>>, vector<1x1000x128xf32>,
    %get3A_52 = arith.constant 4 : index
    %get3A_53 = arith.constant 0 : index
    %get3A_54 = arith.constant 0 : index
    %get3A_55 = vector.load %arg2[%get3A_52, %get3A_53, %get3A_54] : memref<8x128x128xf32, #tpu.memory_space<vmem>>, vector<1x128x128xf32>
    %get3A_56 = vector.shape_cast %get3A_55 : vector<1x128x128xf32> to vector<128x128xf32>
    %dot_general3A_57 = arith.constant dense<0.000000e+00> : vector<1000x128xf32>
    %dot_general3A_58 = tpu.matmul %get3A_1, %get3A_56, %dot_general3A_57 {dimension_numbers = #tpu.dot_dimension_numbers<[1], [0], [0], [1], [0, 0, 1, 1], [], []>, transpose_lhs_hint = false} : vector<1000x128xf32>, vector<128x128xf32>, vector<1000x128xf32> -> vector<1000x128xf32>
    %swap3A_59 = arith.constant 4 : index
    %swap3A_60 = arith.constant 0 : index
    %swap3A_61 = arith.constant 0 : index
    %swap3A_62 = vector.load %arg3[%swap3A_59, %swap3A_60, %swap3A_61] : memref<8x1000x128xf32, #tpu.memory_space<vmem>>, vector<1x1000x128xf32>
    %swap3A_63 = vector.shape_cast %swap3A_62 : vector<1x1000x128xf32> to vector<1000x128xf32>
    %swap3A_64 = vector.shape_cast %dot_general3A_58 : vector<1000x128xf32> to vector<1x1000x128xf32>
    tpu.vector_store %arg3[%swap3A_59, %swap3A_60, %swap3A_61], %swap3A_64 {strides = array<i32>} : memref<8x1000x128xf32, #tpu.memory_space<vmem>>, vector<1x1000x128xf32>,
    %get3A_65 = arith.constant 5 : index
    %get3A_66 = arith.constant 0 : index
    %get3A_67 = arith.constant 0 : index
    %get3A_68 = vector.load %arg2[%get3A_65, %get3A_66, %get3A_67] : memref<8x128x128xf32, #tpu.memory_space<vmem>>, vector<1x128x128xf32>
    %get3A_69 = vector.shape_cast %get3A_68 : vector<1x128x128xf32> to vector<128x128xf32>
    %dot_general3A_70 = arith.constant dense<0.000000e+00> : vector<1000x128xf32>
    %dot_general3A_71 = tpu.matmul %get3A_1, %get3A_69, %dot_general3A_70 {dimension_numbers = #tpu.dot_dimension_numbers<[1], [0], [0], [1], [0, 0, 1, 1], [], []>, transpose_lhs_hint = false} : vector<1000x128xf32>, vector<128x128xf32>, vector<1000x128xf32> -> vector<1000x128xf32>
    %swap3A_72 = arith.constant 5 : index
    %swap3A_73 = arith.constant 0 : index
    %swap3A_74 = arith.constant 0 : index
    %swap3A_75 = vector.load %arg3[%swap3A_72, %swap3A_73, %swap3A_74] : memref<8x1000x128xf32, #tpu.memory_space<vmem>>, vector<1x1000x128xf32>
    %swap3A_76 = vector.shape_cast %swap3A_75 : vector<1x1000x128xf32> to vector<1000x128xf32>
    %swap3A_77 = vector.shape_cast %dot_general3A_71 : vector<1000x128xf32> to vector<1x1000x128xf32>
    tpu.vector_store %arg3[%swap3A_72, %swap3A_73, %swap3A_74], %swap3A_77 {strides = array<i32>} : memref<8x1000x128xf32, #tpu.memory_space<vmem>>, vector<1x1000x128xf32>,
    %get3A_78 = arith.constant 6 : index
    %get3A_79 = arith.constant 0 : index
    %get3A_80 = arith.constant 0 : index
    %get3A_81 = vector.load %arg2[%get3A_78, %get3A_79, %get3A_80] : memref<8x128x128xf32, #tpu.memory_space<vmem>>, vector<1x128x128xf32>
    %get3A_82 = vector.shape_cast %get3A_81 : vector<1x128x128xf32> to vector<128x128xf32>
    %dot_general3A_83 = arith.constant dense<0.000000e+00> : vector<1000x128xf32>
    %dot_general3A_84 = tpu.matmul %get3A_1, %get3A_82, %dot_general3A_83 {dimension_numbers = #tpu.dot_dimension_numbers<[1], [0], [0], [1], [0, 0, 1, 1], [], []>, transpose_lhs_hint = false} : vector<1000x128xf32>, vector<128x128xf32>, vector<1000x128xf32> -> vector<1000x128xf32>
    %swap3A_85 = arith.constant 6 : index
    %swap3A_86 = arith.constant 0 : index
    %swap3A_87 = arith.constant 0 : index
    %swap3A_88 = vector.load %arg3[%swap3A_85, %swap3A_86, %swap3A_87] : memref<8x1000x128xf32, #tpu.memory_space<vmem>>, vector<1x1000x128xf32>
    %swap3A_89 = vector.shape_cast %swap3A_88 : vector<1x1000x128xf32> to vector<1000x128xf32>
    %swap3A_90 = vector.shape_cast %dot_general3A_84 : vector<1000x128xf32> to vector<1x1000x128xf32>
    tpu.vector_store %arg3[%swap3A_85, %swap3A_86, %swap3A_87], %swap3A_90 {strides = array<i32>} : memref<8x1000x128xf32, #tpu.memory_space<vmem>>, vector<1x1000x128xf32>,
    %get3A_91 = arith.constant 7 : index
    %get3A_92 = arith.constant 0 : index
    %get3A_93 = arith.constant 0 : index
    %get3A_94 = vector.load %arg2[%get3A_91, %get3A_92, %get3A_93] : memref<8x128x128xf32, #tpu.memory_space<vmem>>, vector<1x128x128xf32>
    %get3A_95 = vector.shape_cast %get3A_94 : vector<1x128x128xf32> to vector<128x128xf32>
    %dot_general3A_96 = arith.constant dense<0.000000e+00> : vector<1000x128xf32>
    %dot_general3A_97 = tpu.matmul %get3A_1, %get3A_95, %dot_general3A_96 {dimension_numbers = #tpu.dot_dimension_numbers<[1], [0], [0], [1], [0, 0, 1, 1], [], []>, transpose_lhs_hint = false} : vector<1000x128xf32>, vector<128x128xf32>, vector<1000x128xf32> -> vector<1000x128xf32>
    %swap3A_98 = arith.constant 7 : index
    %swap3A_99 = arith.constant 0 : index
    %swap3A_100 = arith.constant 0 : index
    %swap3A_101 = vector.load %arg3[%swap3A_98, %swap3A_99, %swap3A_100] : memref<8x1000x128xf32, #tpu.memory_space<vmem>>, vector<1x1000x128xf32>
    %swap3A_102 = vector.shape_cast %swap3A_101 : vector<1x1000x128xf32> to vector<1000x128xf32>
    %swap3A_103 = vector.shape_cast %dot_general3A_97 : vector<1000x128xf32> to vector<1x1000x128xf32>
    tpu.vector_store %arg3[%swap3A_98, %swap3A_99, %swap3A_100], %swap3A_103 {strides = array<i32>} : memref<8x1000x128xf32, #tpu.memory_space<vmem>>, vector<1x1000x128xf32>,
    return
  }
  func.func @transform_0(%arg0: i32) -> (i32, i32) {
    %c0_i32 = arith.constant 0 : i32
    %c0_i32_0 = arith.constant 0 : i32
    return %arg0, %c0_i32 : i32, i32
  }
  func.func @transform_1(%arg0: i32) -> (i32, i32, i32) {
    %c0_i32 = arith.constant 0 : i32
    %c0_i32_0 = arith.constant 0 : i32
    %c0_i32_1 = arith.constant 0 : i32
    %c0_i32_2 = arith.constant 0 : i32
    return %c0_i32, %c0_i32_0, %c0_i32_1 : i32, i32, i32
  }
  func.func @transform_2(%arg0: i32) -> (i32, i32, i32) {
    %c0_i32 = arith.constant 0 : i32
    %c0_i32_0 = arith.constant 0 : i32
    %c0_i32_1 = arith.constant 0 : i32
    return %c0_i32, %arg0, %c0_i32_0 : i32, i32, i32
  }
}

module attributes {stable_mosaic.version = 14 : i64} {
  func.func @body(%arg0: i32, %arg1: memref<1000x128xf32, #tpu.memory_space<vmem>>, %arg2: memref<1000x1xf32, #tpu.memory_space<vmem>>, %arg3: memref<1000x128xf32, #tpu.memory_space<vmem>>, %arg4: memref<128x128xf32, #tpu.memory_space<vmem>>, %arg5: memref<1x128xf32, #tpu.memory_space<vmem>>, %arg6: memref<128x16xf32, #tpu.memory_space<vmem>>, %arg7: memref<1x16xf32, #tpu.memory_space<vmem>>, %arg8: memref<1000x16xf32, #tpu.memory_space<vmem>>) attributes {dimension_semantics = [#tpu.dimension_semantics<arbitrary>], iteration_bounds = array<i64: 10>, scalar_prefetch = 0 : i64, scratch_operands = 0 : i64, tpu.core_type = #tpu.core_type<tc>, window_params = [{transform_indices = @transform_0, window_bounds = array<i64: 1000, 128>}, {transform_indices = @transform_1, window_bounds = array<i64: 1000, 1>}, {transform_indices = @transform_2, window_bounds = array<i64: 1000, 128>}, {pipeline_mode = #tpu.pipeline_mode<synchronous>, transform_indices = @transform_3, window_bounds = array<i64: 128, 128>}, {pipeline_mode = #tpu.pipeline_mode<synchronous>, transform_indices = @transform_4, window_bounds = array<i64: 1, 128>}, {pipeline_mode = #tpu.pipeline_mode<synchronous>, transform_indices = @transform_5, window_bounds = array<i64: 128, 16>}, {pipeline_mode = #tpu.pipeline_mode<synchronous>, transform_indices = @transform_6, window_bounds = array<i64: 1, 16>}, {transform_indices = @transform_7, window_bounds = array<i64: 1000, 16>}]} {
    %get3A = arith.constant 0 : index
    %get3A_0 = arith.constant 0 : index
    %get3A_1 = vector.load %arg2[%get3A, %get3A_0] : memref<1000x1xf32, #tpu.memory_space<vmem>>, vector<1000x1xf32>
    %get3A_2 = arith.constant 0 : index
    %get3A_3 = arith.constant 0 : index
    %get3A_4 = vector.load %arg1[%get3A_2, %get3A_3] : memref<1000x128xf32, #tpu.memory_space<vmem>>, vector<1000x128xf32>
    %max3A = arith.constant 1.000000e+00 : f32
    %max3A_5 = vector.broadcast %max3A : f32 to vector<1000x1xf32>
    %max3A_6 = arith.maximumf %get3A_1, %max3A_5 : vector<1000x1xf32>
    %div3A = vector.broadcast %max3A_6 : vector<1000x1xf32> to vector<1000x128xf32>
    %div3A_7 = arith.divf %get3A_4, %div3A : vector<1000x128xf32>
    %get3A_8 = arith.constant 0 : index
    %get3A_9 = arith.constant 0 : index
    %get3A_10 = vector.load %arg3[%get3A_8, %get3A_9] : memref<1000x128xf32, #tpu.memory_space<vmem>>, vector<1000x128xf32>
    %get3A_11 = arith.constant 0 : index
    %get3A_12 = arith.constant 0 : index
    %get3A_13 = vector.load %arg4[%get3A_11, %get3A_12] : memref<128x128xf32, #tpu.memory_space<vmem>>, vector<128x128xf32>
    %dot_general3A = arith.constant dense<0.000000e+00> : vector<1000x128xf32>
    %dot_general3A_14 = tpu.matmul %get3A_10, %get3A_13, %dot_general3A {dimension_numbers = #tpu.dot_dimension_numbers<[1], [0], [0], [1], [0, 0, 1, 1], [], []>, transpose_lhs_hint = false} : vector<1000x128xf32>, vector<128x128xf32>, vector<1000x128xf32> -> vector<1000x128xf32>
    %add3A = arith.addf %div3A_7, %dot_general3A_14 : vector<1000x128xf32>
    %get3A_15 = arith.constant 0 : index
    %get3A_16 = arith.constant 0 : index
    %get3A_17 = vector.load %arg5[%get3A_15, %get3A_16] : memref<1x128xf32, #tpu.memory_space<vmem>>, vector<1x128xf32>
    %add3A_18 = vector.broadcast %get3A_17 : vector<1x128xf32> to vector<1000x128xf32>
    %add3A_19 = arith.addf %add3A, %add3A_18 : vector<1000x128xf32>
    %max3A_20 = arith.constant 0.000000e+00 : f32
    %max3A_21 = vector.broadcast %max3A_20 : f32 to vector<1000x128xf32>
    %max3A_22 = arith.maximumf %add3A_19, %max3A_21 : vector<1000x128xf32>
    %get3A_23 = arith.constant 0 : index
    %get3A_24 = arith.constant 0 : index
    %get3A_25 = vector.load %arg6[%get3A_23, %get3A_24] : memref<128x16xf32, #tpu.memory_space<vmem>>, vector<128x16xf32>
    %dot_general3A_26 = arith.constant dense<0.000000e+00> : vector<1000x16xf32>
    %dot_general3A_27 = tpu.matmul %max3A_22, %get3A_25, %dot_general3A_26 {dimension_numbers = #tpu.dot_dimension_numbers<[1], [0], [0], [1], [0, 0, 1, 1], [], []>, transpose_lhs_hint = false} : vector<1000x128xf32>, vector<128x16xf32>, vector<1000x16xf32> -> vector<1000x16xf32>
    %get3A_28 = arith.constant 0 : index
    %get3A_29 = arith.constant 0 : index
    %get3A_30 = vector.load %arg7[%get3A_28, %get3A_29] : memref<1x16xf32, #tpu.memory_space<vmem>>, vector<1x16xf32>
    %add3A_31 = vector.broadcast %get3A_30 : vector<1x16xf32> to vector<1000x16xf32>
    %add3A_32 = arith.addf %dot_general3A_27, %add3A_31 : vector<1000x16xf32>
    %swap3A = arith.constant 0 : index
    %swap3A_33 = arith.constant 0 : index
    %swap3A_34 = vector.load %arg8[%swap3A, %swap3A_33] : memref<1000x16xf32, #tpu.memory_space<vmem>>, vector<1000x16xf32>
    tpu.vector_store %arg8[%swap3A, %swap3A_33], %add3A_32 {strides = array<i32>} : memref<1000x16xf32, #tpu.memory_space<vmem>>, vector<1000x16xf32>,
    return
  }
  func.func @transform_0(%arg0: i32) -> (i32, i32) {
    %c0_i32 = arith.constant 0 : i32
    %c0_i32_0 = arith.constant 0 : i32
    return %arg0, %c0_i32 : i32, i32
  }
  func.func @transform_1(%arg0: i32) -> (i32, i32) {
    %c0_i32 = arith.constant 0 : i32
    %c0_i32_0 = arith.constant 0 : i32
    return %arg0, %c0_i32 : i32, i32
  }
  func.func @transform_2(%arg0: i32) -> (i32, i32) {
    %c0_i32 = arith.constant 0 : i32
    %c0_i32_0 = arith.constant 0 : i32
    return %arg0, %c0_i32 : i32, i32
  }
  func.func @transform_3(%arg0: i32) -> (i32, i32) {
    %c0_i32 = arith.constant 0 : i32
    %c0_i32_0 = arith.constant 0 : i32
    %c0_i32_1 = arith.constant 0 : i32
    return %c0_i32, %c0_i32_0 : i32, i32
  }
  func.func @transform_4(%arg0: i32) -> (i32, i32) {
    %c0_i32 = arith.constant 0 : i32
    %c0_i32_0 = arith.constant 0 : i32
    %c0_i32_1 = arith.constant 0 : i32
    return %c0_i32, %c0_i32_0 : i32, i32
  }
  func.func @transform_5(%arg0: i32) -> (i32, i32) {
    %c0_i32 = arith.constant 0 : i32
    %c0_i32_0 = arith.constant 0 : i32
    %c0_i32_1 = arith.constant 0 : i32
    return %c0_i32, %c0_i32_0 : i32, i32
  }
  func.func @transform_6(%arg0: i32) -> (i32, i32) {
    %c0_i32 = arith.constant 0 : i32
    %c0_i32_0 = arith.constant 0 : i32
    %c0_i32_1 = arith.constant 0 : i32
    return %c0_i32, %c0_i32_0 : i32, i32
  }
  func.func @transform_7(%arg0: i32) -> (i32, i32) {
    %c0_i32 = arith.constant 0 : i32
    %c0_i32_0 = arith.constant 0 : i32
    return %arg0, %c0_i32 : i32, i32
  }
}

</mosaic_0001>

<sc_bundles>
// kernel: kernel.5.cloned.1.call-start
scs
__scs_entry_jumppad:
0x0: {  	(pc) =	sbr.rel $0x88, $3  }
0x1: {  	(tag) =	ssettag $0x0;
	lr =	simm.s32 $0x1  }
0x2: {  	[smem:$0x3F99] =	sst lr;
	_ =	strace $0xD0000000  }
0x3: {  	_ = 	snop  }
0x4: {  	_ = 	snop  }
0x5: {  	_ = 	snop  }
0x6: {  	_ = 	snop  }
0x7: {  	_ = 	snop  }
__scs_overlays_trampoline_lowered:
0x8: {  	[smem:$0x3FA8] =	sst s0  }
0x9: {  	[smem:$0x3FA9] =	sst s1  }
0xa: {  	[smem:$0x3FAA] =	sst s2  }
0xb: {  	[smem:$0x3FAB] =	sst s3  }
0xc: {  	[smem:$0x3FAC] =	sst s4  }
0xd: {  	[smem:$0x3FAD] =	sst s5  }
0xe: {  	[smem:$0x3FAE] =	sst s6  }
0xf: {  	[smem:$0x3FAF] =	sst s7  }
0x10: {  	[smem:$0x3FB0] =	sst s8  }
0x11: {  	[smem:$0x3FB1] =	sst s9;
	s0 =	simm.s32 @!p0 $0x0  }
0x12: {  	s1 =	sld [smem:$0x3F97];
	s0 =	simm.s32 @p0 $0x1  }
0x13: {  	[smem:$0x3FB2] =	sst s0;
	s0 =	simm.s32 @!p1 $0x0  }
0x14: {  	s2 =	sld [smem:$0x3F96];
	s0 =	simm.s32 @p1 $0x1  }
0x15: {  	[smem:$0x3FB3] =	sst s0;
	s0 =	simm.s32 @!p2 $0x0  }
0x16: {  	s3 =	sld [smem:$0x3FDB];
	s0 =	simm.s32 @p2 $0x1  }
0x17: {  	s4 =	simm.s32 $0x1BF5;
	[smem:$0x3FB5] =	sst s0  }
0x18: {  	s0 =	sld [smem:$0x3F98];
	_ =	swait.ge [sflag:s4], $0x0  }
0x19: {  	s7 =	sld [smem:$0x3F99]  }
0x1a: {  	s8 =	sadd.s32 $0xFFFFE003, lr  }
0x1b: {  	s9 =	sadd.s32 $0xFFFFFEF7, lr;
	s5 =	simm.s32 $0xFFFFFFFF;
	p2 =	slt.u32 s8, $0xFFFFF086  }
0x1c: {  	p1 =	slt.u32 s9, $0xF7A;
	s5 =	simm.s32 @!p2 $0x0  }
0x1d: {  	s5 =	simm.s32 @p1 $0x1;
	p0 =	seq.s32 s7, s2  }
0x1e: {  	s7 =	smul.u32 @!p0 $0xF7A, s2;
	p2 =	seq.s32 @!p0 s5, $0x0  }
0x1f: {  	s9 =	smul.u32 $0xF7A, s1;
	s8 =	simm.s32 @!p0 $0x1BF5;
	p2 =	por !p2, p0  }
0x20: {  	[sflag:s8] =	ssyncset.s32 @!p0 $0xFFFFF086;
	s6 =	sadd.s32 @!p0 s3, s7;
	s7 =	simm.s32 @!p0 $0x108  }
0x21: {  	s3 =	sadd.s32 s3, s9;
	s6 =	sadd.s32 @!p0 $0x88, s6;
	s7 =	simm.s32 @p2 $0x1082  }
0x22: {  	[simem:s7], [sflag:s8] =	dma.local @!p0 [hbm:s6], $0xF7A  }
0x23: {  	s9 =	sor.u32 $0xD0000000, s2;
	s6 =	simm.s32 $0x108;
	_ =	swait.ge @!p0 [sflag:s8], $0x0  }
0x24: {  	s3 =	sadd.s32 $0x88, s3;
	s6 =	simm.s32 @!p1 $0x1082;
	[sflag:s4] =	ssyncset.s32 $0xFFFFF086  }
0x25: {  	[simem:s6], [sflag:s4] =	dma.local [hbm:s3], $0xF7A  }
0x26: {  	[smem:$0x3F99] =	sst s1;
	(tag) =	ssettag s2;
	_ =	strace s9  }
0x27: {  	s1 =	sld [smem:$0x3FA9]  }
0x28: {  	s2 =	sld [smem:$0x3FAA]  }
0x29: {  	s4 =	sld [smem:$0x3FAC]  }
0x2a: {  	p0 =	seq.s32 s5, $0x0;
	s5 =	sld [smem:$0x3FAD]  }
0x2b: {  	s6 =	sld [smem:$0x3FAE]  }
0x2c: {  	s7 =	sld [smem:$0x3FAF]  }
0x2d: {  	s3 =	simm.s32 $0x108;
	s8 =	sld [smem:$0x3FB0]  }
0x2e: {  	s3 =	simm.s32 @!p0 $0x1082;
	s9 =	sld [smem:$0x3FB1]  }
0x2f: {  	lr =	sadd.s32 s0, s3;
	s0 =	sld [smem:$0x3FA8]  }
0x30: {  	s3 =	sld [smem:$0x3FAB]  }
0x31: {  	[smem:$0x3FB4] =	sst s10  }
0x32: {  	s10 =	sld [smem:$0x3FB2];
	_ =	sdelay $0x3  }
0x33: {  	p0 =	seq.s32 s10, $0x1;
	s10 =	sld [smem:$0x3FB4];
	_ =	sdelay $0x3  }
0x34: {  	[smem:$0x3FB4] =	sst s10  }
0x35: {  	s10 =	sld [smem:$0x3FB3];
	_ =	sdelay $0x3  }
0x36: {  	p1 =	seq.s32 s10, $0x1;
	s10 =	sld [smem:$0x3FB4];
	_ =	sdelay $0x3  }
0x37: {  	[smem:$0x3FB4] =	sst s10  }
0x38: {  	s10 =	sld [smem:$0x3FB5]  }
0x39: {  	_ = 	snop;
	(pc) =	sbr.ind lr, $3  }
0x3a: {  	_ = 	snop  }
0x3b: {  	_ = 	snop  }
0x3c: {  	p2 =	seq.s32 s10, $0x1;
	s10 =	sld [smem:$0x3FB4]  }
0x3d: {  	_ =	shalt  }
0x3e: {  	_ =	shalt  }
0x3f: {  	_ =	shalt  }
0x40: {  	_ =	shalt  }
0x41: {  	_ =	shalt  }
0x42: {  	_ =	shalt  }
0x43: {  	_ =	shalt  }
0x44: {  	_ =	shalt  }
0x45: {  	_ =	shalt  }
0x46: {  	_ =	shalt  }
0x47: {  	_ =	shalt  }
0x48: {  	_ =	shalt  }
0x49: {  	_ =	shalt  }
0x4a: {  	_ =	shalt  }
0x4b: {  	_ =	shalt  }
0x4c: {  	_ =	shalt  }
0x4d: {  	_ =	shalt  }
0x4e: {  	_ =	shalt  }
0x4f: {  	_ =	shalt  }
0x50: {  	_ =	shalt  }
0x51: {  	_ =	shalt  }
0x52: {  	_ =	shalt  }
0x53: {  	_ =	shalt  }
0x54: {  	_ =	shalt  }
0x55: {  	_ =	shalt  }
0x56: {  	_ =	shalt  }
0x57: {  	_ =	shalt  }
0x58: {  	_ =	shalt  }
0x59: {  	_ =	shalt  }
0x5a: {  	_ =	shalt  }
0x5b: {  	_ =	shalt  }
0x5c: {  	_ =	shalt  }
0x5d: {  	_ =	shalt  }
0x5e: {  	_ =	shalt  }
0x5f: {  	_ =	shalt  }
0x60: {  	_ =	shalt  }
0x61: {  	_ =	shalt  }
0x62: {  	_ =	shalt  }
0x63: {  	_ =	shalt  }
0x64: {  	_ =	shalt  }
0x65: {  	_ =	shalt  }
0x66: {  	_ =	shalt  }
0x67: {  	_ =	shalt  }
0x68: {  	_ =	shalt  }
0x69: {  	_ =	shalt  }
0x6a: {  	_ =	shalt  }
0x6b: {  	_ =	shalt  }
0x6c: {  	_ =	shalt  }
0x6d: {  	_ =	shalt  }
0x6e: {  	_ =	shalt  }
0x6f: {  	_ =	shalt  }
0x70: {  	_ =	shalt  }
0x71: {  	_ =	shalt  }
0x72: {  	_ =	shalt  }
0x73: {  	_ =	shalt  }
0x74: {  	_ =	shalt  }
0x75: {  	_ =	shalt  }
0x76: {  	_ =	shalt  }
0x77: {  	_ =	shalt  }
0x78: {  	_ =	shalt  }
0x79: {  	_ =	shalt  }
0x7a: {  	_ =	shalt  }
0x7b: {  	_ =	shalt  }
0x7c: {  	_ =	shalt  }
0x7d: {  	_ =	shalt  }
0x7e: {  	_ =	shalt  }
0x7f: {  	_ =	shalt  }
0x80: {  	_ =	shalt  }
0x81: {  	_ =	shalt  }
0x82: {  	_ =	shalt  }
0x83: {  	_ =	shalt  }
0x84: {  	_ =	shalt  }
0x85: {  	_ =	shalt  }
0x86: {  	_ =	shalt  }
0x87: {  	_ =	shalt  }
.Lfunc_end0:
.L_simem_size_0:
called_computation_lowered:
.L_overlay_start_0:
0x88: {  	s2 =	sld [smem:$0x3FD9]  }
0x89: {  	s3 =	sld [smem:$0x3FFE];
	_ =	sdelay $0x1  }
0x8a: {  	s1 =	srdreg.scid  }
0x8b: {  	s0 =	sand.u32 $0x1, s1  }
0x8c: {  	s17 =	sshll.u32 s0, $0xA;
	s2 =	sadd.s32 s3, s2  }
0x8d: {  	s2 =	sadd.s32 s2, s17  }
0x8e: {  	[smem:$0x3FC0] =	sst s2  }
0x8f: {  	_ = 	snop  }
0x90: {  	s2 =	sld [smem:$0x3FC7]  }
0x91: {  	s18 =	sld [smem:$0x3FD0];
	(tm) =	ssettm $0x1  }
0x92: {  	s4 =	sld [smem:$0x3FFB];
	_ =	sdelay $0x3  }
0x93: {  	_ =	strace s4  }
0x94: {  	s4 =	sld [smem:$0x3FFC];
	_ =	sdelay $0x3  }
0x95: {  	_ =	strace s4  }
0x96: {  	s4 =	sld [smem:$0x3FFD];
	_ =	sdelay $0x3  }
0x97: {  	_ =	strace s4  }
0x98: {  	_ =	strace $0x8FFFFFFF  }
0x99: {  	s19 =	sld [smem:$0x3FDB];
	_ =	sdelay $0x1  }
0x9a: {  	s5 =	simm.s32 $_scs_section_size  }
0x9b: {  	s6 =	simm.s32 $_size__tile_overlayer_lowered;
	s7 =	simm.s32 $_tile_overlayer_lowered  }
0x9c: {  	s22 =	simm.s32 $0x1BFF;
	s21 =	sshll.u32 s7, $0x1;
	s4 =	sadd.s32 s5, s19  }
0x9d: {  	s8 =	simm.s32 $0x0;
	s20 =	sshll.u32 s6, $0x1;
	s6 =	sadd.s32 s21, s4  }
0x9e: {  	[timem:s8], [sflag:s22] =	dma.local [hbm:s6], s20  }
0x9f: {  	_ =	swait.ge [sflag:s22], s20  }
0xa0: {  	s5 =	ssub.s32 $0x0, s20;
	[sflag:s22] =	ssyncset.done $0x0  }
0xa1: {  	[sflag:s22] =	ssyncadd.s32 s5;
	_ =	sdelay $0x1  }
0xa2: {  	s23 =	simm.s32 $0x1B8B  }
0xa3: {  	_ =	swait.ge [sflag:s23], $0x1  }
0xa4: {  	[sflag:s23] =	ssyncset.done $0x0  }
0xa5: {  	s25 =	simm.s32 $0x1B8E;
	s24 =	sld [smem:$0x3FFE];
	[sflag:s23] =	ssyncadd.s32 $0xFFFFFFFF  }
0xa6: {  	s26 =	simm.s32 $execute0_lowered;
	[smem:$0x3FD2] =	sst s25  }
0xa7: {  	s6 =	sshll.u32 s26, $0x1;
	_ =	strace $0x80000046;
	[dreg:$0x1] =	wrdreg $0xFFFFFFFF  }
0xa8: {  	s28 =	simm.s32 $_size_execute0_lowered;
	s4 =	sadd.s32 s4, s6;
	[dreg:$0x0] =	wrdreg $0x0  }
0xa9: {  	s6 =	sshll.u32 s28, $0x1;
	[dreg:$0x2] =	wrdreg s4  }
0xaa: {  	[dreg:$0x3] =	wrdreg s6  }
0xab: {  	[dreg:$0x4] =	wrdreg $0xC0  }
0xac: {  	_ =	task [dreg:s8], $0x5FFFF  }
0xad: {  	[dreg:$0x1] =	wrdreg $0xFFFFFFFF  }
0xae: {  	[dreg:$0x0] =	wrdreg $0x60  }
0xaf: {  	[dreg:$0x2] =	wrdreg s24  }
0xb0: {  	[dreg:$0x3] =	wrdreg s2  }
0xb1: {  	[dreg:$0x4] =	wrdreg s18  }
0xb2: {  	[dreg:$0x5] =	wrdreg $0x10C000  }
0xb3: {  	[dreg:$0x6] =	wrdreg $0x1B0000  }
0xb4: {  	[dreg:$0x7] =	wrdreg $0x9  }
0xb5: {  	_ =	task.clear_ibuf [dreg:s8], $0x8FFFF;
	_ =	strace $0x90000046  }
0xb6: {  	s29 =	simm.s32 $0x9;
	_ =	strace $0x80000048  }
0xb7: {  	_ =	swait.ge [sflag:s29], $0x1  }
0xb8: {  	[sflag:s29] =	ssyncadd.s32 $0xFFFFFFFF  }
0xb9: {  	_ =	strace $0x90000048  }
0xba: {  	_ =	sfence  }
0xbb: {  	s30 =	sld [smem:$0x0];
	_ =	sdelay $0x2  }
0xbc: {  	s31 =	sshll.u32 s1, $0xD;
	s1 =	sshrl.u32 s1, $0x2  }
0xbd: {  	s3 =	sand.u32 $0x4000, s31;
	s1 =	sadd.s32 s1, s30  }
0xbe: {  	s0 =	sor.u32 s3, s0;
	s1 =	sshll.u32 s1, $0x11  }
0xbf: {  	s0 =	sor.u32 s1, s0  }
0xc0: {  	s0 =	sadd.s32 $0x8F2B, s0  }
0xc1: {  	[sflag:s0] =	ssyncadd.remote.s32 $0x1  }
0xc2: {  	_ =	sfence.sel $0xFFFF  }
0xc3: {  	[dreg:$0x0] =	wrdreg $0xFFFFFFFF;
	(pc) =	sbr.abs _section_cstart, $3  }
0xc4: {  	[dreg:$0x1] =	wrdreg $0xFFFFFFFF  }
0xc5: {  	_ =	task.clear_ibuf [dreg:s8], $0x2FFFF;
	_ =	strace $0x9FFFFFFF  }
0xc6: {  	(tm) =	ssettm $0x7FFFFFFF  }
0xc7: {  	_ =	shalt  }
tec
execute0_lowered:
.L_overlay_start_1:
0x0: {  	(tag) =	ssettag $0x1  }
0x1: {  	s0 =	rddreg [dreg:$0x0]  }
0x2: {  	s1 =	rddreg [dreg:$0x1]  }
0x3: {  	s4 =	rddreg [dreg:$0x2]  }
0x4: {  	s2 =	rddreg [dreg:$0x3]  }
0x5: {  	s3 =	rddreg [dreg:$0x4];
	s6 =	srdreg.scid  }
0x6: {  	s26 =	stileid.u32;
	s5 =	simm.s32 $0x0;
	s19 =	simm.s32 $0xB780  }
0x7: {  	s20 =	simm.s32 $0x3;
	s21 =	simm.s32 $0x800;
	s22 =	simm.s32 $0x1000  }
0x8: {  	s23 =	simm.s32 $0x2;
	s24 =	simm.s32 $0x80;
	s28 =	simm.s32 $0xB700  }
0x9: {  	s10 =	sand.u32 $0x1, s6;
	s7 =	smul.u32 $0x148, s26;
	[smem:$0x7FF] =	sst s5  }
0xa: {  	s6 =	sadd.s32 $0x14A00, s0;
	s8 =	sadd.s32 $0xAC00, s0;
	s12 =	smul.u32 $0x29000, s26  }
0xb: {  	p0 =	sne.s32 s26, $0x0;
	p1 =	sne.s32 s26, $0xF;
	s25 =	smul.u32 $0x1400, s10  }
0xc: {  	_ =	strace $0x80000047;
	s10 =	ssub.s32 $0x2, s10;
	p2 =	sne.s32 @p1 s26, $0x0  }
0xd: {  	s31 =	sshrl.u32 s10, $0x1;
	s12 =	sshrl.u32 s12, $0x2;
	p2 =	por p2, !p1  }
0xe: {  	s9 =	sadd.s32 s7, s25;
	s7 =	smul.u32 $0x4E20, s26;
	s18 =	ssub.s32 s10, s31  }
0xf: {  	s10 =	sadd.s32 s12, s2;
	s17 =	sshrl.u32 s25, $0x3;
	v0 =	vmov s25;
	s25 =	simm.s32 $0xF780  }
.Ltmp0:
0x10: {  	s26 =	simm.s32 $0x1;
	s11 =	sshll.u32 s9, $0x4;
	(pc) =	sbr.rel .LBB2_1-.Ltmp0, $4  }
0x11: {  	s9 =	sadd.s32 $0xE00, s0;
	s12 =	sadd.s32 $0x8000, s10;
	s17 =	sadd.s32 s4, s17  }
0x12: {  	s18 =	smax.u32 s18, $0x1;
	s0 =	sadd.s32 s11, s0;
	s13 =	sshrl.u32 s7, $0x3  }
0x13: {  	v1 =	vimm.f32 $0.0e+00;
	v2 =	vlaneseq.u32;
	s11 =	sadd.s32 $0x4000, s10;
	s15 =	sadd.s32 $0x900, s13;
	s16 =	sadd.s32 $0x14D200, s0  }
0x14: {  	v5 =	vimm.s32 $0x0;
	v3 =	vor.u32 $0x10, v2;
	v4 =	vadd.s32 $0x18, v2;
	s13 =	sadd.s32 s8, s15;
	s14 =	sadd.s32 s1, s15;
	s15 =	sadd.s32 s9, s15  }
.LBB2_16:
0x15: {  	s0 =	simm.s32 $0x28;
	s4 =	simm.s32 $0x10B80  }
0x16: {  	[spmem:s3] =	stream.indirect.scatter.add.f32 [tilespmem:s25], [sflag:$0x3], $0x80, s4, s0, $0xb8;
	[tilespmem:$0x1B140] =	vst v63  }
0x17: {  	_ =	swait.ge [sflag:s20], $0x1400  }
0x18: {  	s0 =	stileid.u32;
	[sflag:s20] =	ssyncset.done $0x0  }
0x19: {  	s0 =	sshll.u32 @p1 s0, $0x6;
	[sflag:s20] =	ssyncadd.s32 $0xFFFFEC00  }
0x1a: {  	s4 =	sshrl.u32 @p1 s10, $0x3;
	s0 =	sor.u32 @p1 $0x1C03, s0;
	[bflag:$0x0] =	sbarrier.arrive $0xFFFF  }
0x1b: {  	[hbm:s16], [sflag:s0] =	dma.local @p1 [spmem:s4], $0x1480  }
0x1c: {  	s0 =	simm.s32 @p1 $0x3  }
0x1d: {  	_ =	swait.ge @p1 [sflag:s0], $0x1480  }
0x1e: {  	[sflag:s0] =	ssyncset.done @p1 $0x0  }
0x1f: {  	s4 =	simm.s32 @!p2 $0x1C03;
	[sflag:s0] =	ssyncadd.s32 @p1 $0xFFFFEB80;
	s0 =	sshrl.u32 @!p2 s3, $0x3  }
0x20: {  	[hbm:s17], [sflag:s4] =	dma.local @!p2 [spmem:s0], $0x280  }
0x21: {  	s0 =	simm.s32 @!p2 $0x3  }
0x22: {  	s5 =	sadd.s32 $0x1, s5;
	_ =	swait.ge @!p2 [sflag:s0], $0x280  }
0x23: {  	p3 =	sne.s32 s5, s18;
	[sflag:s0] =	ssyncset.done @!p2 $0x0  }
0x24: {  	s4 =	simm.s32 @!p1 $0x1FC3;
	[sflag:s0] =	ssyncadd.s32 @!p2 $0xFFFFFD80;
	s0 =	sshrl.u32 @!p1 s10, $0x3  }
0x25: {  	[hbm:s16], [sflag:s4] =	dma.local @!p1 [spmem:s0], $0xC80  }
.Ltmp1:
0x26: {  	_ = 	snop;
	(pc) =	sbr.rel @!p3 .LBB2_17-.Ltmp1, $4  }
0x27: {  	s0 =	simm.s32 @!p1 $0x3  }
0x28: {  	_ =	swait.ge @!p1 [sflag:s0], $0xC80  }
0x29: {  	[sflag:s0] =	ssyncset.done @!p1 $0x0  }
0x2a: {  	[sflag:s0] =	ssyncadd.s32 @!p1 $0xFFFFF380  }
.LBB2_1:
0x2b: {  	s0 =	simm.s32 $0x0;
	s4 =	simm.s32 $0x200  }
.LBB2_2:
0x2c: {  	p3 =	sne.s32 s4, $0xFE00;
	[tilespmem:s0+$0xB7F0] =	vst v1  }
0x2d: {  	[tilespmem:s0+$0xB780] =	vst v1  }
0x2e: {  	[tilespmem:s0+$0xB790] =	vst v1  }
.Ltmp2:
0x2f: {  	[tilespmem:s0+$0xB7A0] =	vst v1;
	(pc) =	sbr.rel @p3 .LBB2_2-.Ltmp2, $4  }
0x30: {  	[tilespmem:s0+$0xB7B0] =	vst v1  }
0x31: {  	[tilespmem:s0+$0xB7C0] =	vst v1  }
0x32: {  	[tilespmem:s0+$0xB7D0] =	vst v1  }
0x33: {  	[tilespmem:s0+$0xB7E0] =	vst v1;
	s0 =	sshra.s32 s4, $0x2;
	s4 =	sadd.s32 $0x200, s4  }
0x34: {  	[tilespmem:s0+$0xB7F0] =	vst v1  }
0x35: {  	[tilespmem:s0+$0xB780] =	vst v1  }
0x36: {  	[tilespmem:s0+$0xB790] =	vst v1  }
0x37: {  	[tilespmem:s0+$0xB7A0] =	vst v1  }
0x38: {  	[tilespmem:s0+$0xB7B0] =	vst v1  }
0x39: {  	[tilespmem:s0+$0xB7C0] =	vst v1  }
0x3a: {  	[tilespmem:s0+$0xB7D0] =	vst v1  }
0x3b: {  	[tilespmem:s0+$0xB7E0] =	vst v1;
	s0 =	simm.s32 $0x0;
	s29 =	simm.s32 $0x200  }
.LBB2_4:
0x3c: {  	p3 =	sne.s32 s29, $0x4E00;
	[tilespmem:s0+$0xF7F0] =	vst v1  }
0x3d: {  	[tilespmem:s0+$0xF780] =	vst v1  }
0x3e: {  	[tilespmem:s0+$0xF790] =	vst v1  }
.Ltmp3:
0x3f: {  	[tilespmem:s0+$0xF7A0] =	vst v1;
	(pc) =	sbr.rel @p3 .LBB2_4-.Ltmp3, $4  }
0x40: {  	[tilespmem:s0+$0xF7B0] =	vst v1  }
0x41: {  	[tilespmem:s0+$0xF7C0] =	vst v1  }
0x42: {  	[tilespmem:s0+$0xF7D0] =	vst v1  }
0x43: {  	[tilespmem:s0+$0xF7E0] =	vst v1;
	s0 =	sshra.s32 s29, $0x2;
	s29 =	sadd.s32 $0x200, s29  }
0x44: {  	[tilespmem:s0+$0xF7F0] =	vst v1  }
0x45: {  	[tilespmem:s0+$0xF780] =	vst v1  }
0x46: {  	[tilespmem:s0+$0xF790] =	vst v1  }
0x47: {  	[tilespmem:s0+$0xF7A0] =	vst v1  }
0x48: {  	[tilespmem:s0+$0xF7B0] =	vst v1  }
0x49: {  	[tilespmem:s0+$0xF7C0] =	vst v1  }
0x4a: {  	[tilespmem:s0+$0xF7D0] =	vst v1  }
0x4b: {  	[tilespmem:s0+$0xF7E0] =	vst v1  }
0x4c: {  	s31 =	simm.s32 $0x0;
	[tilespmem:$0x10B80] =	vst v2  }
0x4d: {  	[tilespmem:$0x10B90] =	vst v3;
	s4 =	sand.u32 $0x70, s31  }
0x4e: {  	s0 =	simm.s32 $0x1800;
	[tilespmem:$0x10B98] =	vst v4;
	s29 =	sor.u32 $0x1400, s4  }
0x4f: {  	s4 =	simm.s32 $0x6780;
	v6 =	vor.u32 s29, v2;
	[tilespmem:s0+$0x0] =	vst v5  }
0x50: {  	s29 =	simm.s32 $0x10;
	[tilespmem:s4+$0x0] =	vst v6  }
.LBB2_6:
0x51: {  	p3 =	sne.s32 s29, $0x4F70  }
.Ltmp4:
0x52: {  	_ = 	snop;
	(pc) =	sbr.rel @p3 .LBB2_6-.Ltmp4, $4  }
0x53: {  	s30 =	sand.u32 $0x70, s29  }
0x54: {  	s0 =	sadd.s32 $0x10, s0;
	s30 =	sor.u32 $0x1400, s30  }
0x55: {  	s4 =	sadd.s32 $0x10, s4;
	[tilespmem:s0+$0x0] =	vst v5;
	v6 =	vor.u32 s30, v2  }
0x56: {  	s29 =	sadd.s32 $0x10, s29;
	[tilespmem:s4+$0x0] =	vst v6  }
0x57: {  	[spmem:s10] =	stream.linear.scatter [tilespmem:s19], [sflag:$0x3], $0x4000, $0x38;
	[tilespmem:$0x1B140] =	vst v63  }
0x58: {  	_ =	swait.ge [sflag:s20], $0x4000  }
0x59: {  	[sflag:s20] =	ssyncset.done $0x0  }
0x5a: {  	[sflag:s20] =	ssyncadd.s32 $0xFFFFC000  }
0x5b: {  	[spmem:s11] =	stream.linear.scatter [tilespmem:s19], [sflag:$0x3], $0x4000, $0x38;
	[tilespmem:$0x1B140] =	vst v63  }
0x5c: {  	_ =	swait.ge [sflag:s20], $0x4000  }
0x5d: {  	[sflag:s20] =	ssyncset.done $0x0  }
0x5e: {  	[sflag:s20] =	ssyncadd.s32 $0xFFFFC000  }
0x5f: {  	[spmem:s12] =	stream.linear.scatter [tilespmem:s19], [sflag:$0x3], $0x2400, $0x38;
	[tilespmem:$0x1B140] =	vst v63  }
0x60: {  	_ =	swait.ge [sflag:s20], $0x2400  }
0x61: {  	[sflag:s20] =	ssyncset.done $0x0  }
0x62: {  	s0 =	simm.s32 @!p0 $0xF780;
	[sflag:s20] =	ssyncadd.s32 $0xFFFFDC00  }
0x63: {  	[spmem:s3] =	stream.linear.scatter @!p0 [tilespmem:s0], [sflag:$0x3], $0x1400, $0x38;
	[tilespmem:$0x1B140] =	vst v63  }
0x64: {  	s0 =	simm.s32 @!p0 $0x3  }
0x65: {  	_ =	swait.ge @!p0 [sflag:s0], $0x1400  }
0x66: {  	s31 =	simm.s32 $0x0;
	[sflag:s0] =	ssyncset.done @!p0 $0x0  }
0x67: {  	s29 =	simm.s32 $0x0;
	[sflag:s0] =	ssyncadd.s32 @!p0 $0xFFFFEC00;
	s0 =	simm.s32 $0x0  }
.LBB2_8:
0x68: {  	s4 =	sshll.u32 s29, $0xB  }
0x69: {  	s4 =	sadd.s32 s7, s4  }
0x6a: {  	s4 =	sshrl.u32 s4, $0x3  }
0x6b: {  	s30 =	sadd.s32 s8, s4  }
0x6c: {  	[tilespmem:s0], [sflag:$0x2] =	stream.linear.gather [hbm4b:s30+s0], $0x800, $0x38;
	[tilespmem:$0x1B140] =	vst v63  }
0x6d: {  	s30 =	sadd.s32 s1, s4  }
0x6e: {  	[tilespmem:s21], [sflag:$0x2] =	stream.linear.gather [hbm4b:s30+s0], $0x800, $0x38;
	[tilespmem:$0x1B140] =	vst v63  }
0x6f: {  	s4 =	sadd.s32 s9, s4  }
0x70: {  	[tilespmem:s22], [sflag:$0x2] =	stream.linear.gather [hbm4b:s4+s0], $0x800, $0x38;
	[tilespmem:$0x1B140] =	vst v63  }
0x71: {  	_ =	swait.ge [sflag:s23], $0x800  }
0x72: {  	[sflag:s23] =	ssyncset.done $0x0  }
0x73: {  	[sflag:s23] =	ssyncadd.s32 $0xFFFFF800  }
0x74: {  	_ =	swait.ge [sflag:s23], $0x800  }
0x75: {  	[sflag:s23] =	ssyncset.done $0x0  }
0x76: {  	[sflag:s23] =	ssyncadd.s32 $0xFFFFF800  }
0x77: {  	_ =	swait.ge [sflag:s23], $0x800  }
0x78: {  	[sflag:s23] =	ssyncset.done $0x0  }
0x79: {  	s4 =	simm.s32 $0x0;
	[sflag:s23] =	ssyncadd.s32 $0xFFFFF800  }
0x7a: {  	v6 =	vld [tilespmem:s4+$0x1000];
	_ =	sdelay $0x4  }
0x7b: {  	v6 =	vsub.s32 v6, v0  }
0x7c: {  	v7 =	vld [tilespmem:s4+$0x800];
	vm0 =	vlt.u32 v6, $0x1400  }
0x7d: {  	v9 =	vmpcnt.ones.xlane vm0  }
0x7e: {  	v8 =	vld [tilespmem:s4+$0x0]  }
0x7f: {  	(v2sf) =	vpush v9, $0x0;
	_ =	sdelay $0x1  }
0x80: {  	v7 =	vmul.u32 $0x2710, v7;
	_ =	sdelay $0x1  }
0x81: {  	v7 =	vadd.s32 v8, v7  }
0x82: {  	[tilespmem:s31+$0x1800] =	vst.msk vm0, v7  }
0x83: {  	s30 =	simm.s32 $0x80;
	s4 =	simm.s32 $0x10;
	[tilespmem:s31+$0x6780] =	vst.msk vm0, v6  }
.LBB2_9:
0x84: {  	p3 =	sne.s32 s30, $0x1FC0;
	v6 =	vld [tilespmem:s4+$0x1000];
	_ =	sdelay $0x1  }
0x85: {  	v7 =	vld [tilespmem:s4+$0x800];
	_ =	sdelay $0x1  }
0x86: {  	v8 =	vld [tilespmem:s4+$0x0]  }
0x87: {  	v6 =	vsub.s32 v6, v0  }
0x88: {  	vm0 =	vlt.u32 v6, $0x1400  }
0x89: {  	v7 =	vmul.u32 $0x2710, v7;
	v9 =	vmpcnt.ones.xlane vm0  }
0x8a: {  	s4 =	spop (v2sf)  }
0x8b: {  	v7 =	vadd.s32 v8, v7;
	(v2sf) =	vpush v9, $0x0;
	s31 =	sadd.s32 s31, s4  }
0x8c: {  	[tilespmem:s31+$0x1800] =	vst.msk vm0, v7  }
.Ltmp5:
0x8d: {  	[tilespmem:s31+$0x6780] =	vst.msk vm0, v6;
	(pc) =	sbr.rel @p3 .LBB2_9-.Ltmp5, $2  }
0x8e: {  	_ =	sdelay $0x2  }
0x8f: {  	s4 =	sshra.s32 s30, $0x2;
	s30 =	sadd.s32 $0x40, s30  }
0x90: {  	v6 =	vld [tilespmem:s4+$0x1000];
	_ =	sdelay $0x4  }
0x91: {  	v6 =	vsub.s32 v6, v0  }
0x92: {  	vm0 =	vlt.u32 v6, $0x1400  }
0x93: {  	v7 =	vmpcnt.ones.xlane vm0;
	_ =	sdelay $0x1  }
0x94: {  	(v2sf) =	vpush v7, $0x0;
	_ =	sdelay $0x6  }
0x95: {  	v7 =	vld [tilespmem:s4+$0x800];
	_ =	sdelay $0x1  }
0x96: {  	v8 =	vld [tilespmem:s4+$0x0]  }
0x97: {  	s29 =	sadd.s32 $0x1, s29  }
0x98: {  	p3 =	sne.s32 s29, $0x9  }
.Ltmp6:
0x99: {  	v7 =	vmul.u32 $0x2710, v7;
	(pc) =	sbr.rel @p3 .LBB2_8-.Ltmp6, $4  }
0x9a: {  	s30 =	spop (v2sf)  }
0x9b: {  	s4 =	sadd.s32 s31, s30;
	v7 =	vadd.s32 v8, v7  }
0x9c: {  	[tilespmem:s4+$0x1800] =	vst.msk vm0, v7;
	s30 =	spop (v2sf)  }
0x9d: {  	[tilespmem:s4+$0x6780] =	vst.msk vm0, v6;
	s31 =	sadd.s32 s4, s30  }
0x9e: {  	s0 =	simm.s32 $0x0  }
0x9f: {  	[tilespmem:s0], [sflag:$0x2] =	stream.linear.gather [hbm4b:s13+s0], $0x620, $0x38;
	[tilespmem:$0x1B140] =	vst v63  }
0xa0: {  	_ = 	snop  }
0xa1: {  	[tilespmem:s21], [sflag:$0x2] =	stream.linear.gather [hbm4b:s14+s0], $0x620, $0x38;
	[tilespmem:$0x1B140] =	vst v63  }
0xa2: {  	_ = 	snop  }
0xa3: {  	[tilespmem:s22], [sflag:$0x2] =	stream.linear.gather [hbm4b:s15+s0], $0x620, $0x38;
	[tilespmem:$0x1B140] =	vst v63  }
0xa4: {  	_ =	swait.ge [sflag:s23], $0x620  }
0xa5: {  	[sflag:s23] =	ssyncset.done $0x0  }
0xa6: {  	[sflag:s23] =	ssyncadd.s32 $0xFFFFF9E0  }
0xa7: {  	_ =	swait.ge [sflag:s23], $0x620  }
0xa8: {  	[sflag:s23] =	ssyncset.done $0x0  }
0xa9: {  	[sflag:s23] =	ssyncadd.s32 $0xFFFFF9E0  }
0xaa: {  	_ =	swait.ge [sflag:s23], $0x620  }
0xab: {  	[sflag:s23] =	ssyncset.done $0x0  }
0xac: {  	s30 =	simm.s32 $0x0;
	[sflag:s23] =	ssyncadd.s32 $0xFFFFF9E0  }
0xad: {  	v6 =	vld [tilespmem:s30+$0x1000];
	_ =	sdelay $0x4  }
0xae: {  	v6 =	vsub.s32 v6, v0  }
0xaf: {  	v7 =	vld [tilespmem:s30+$0x800];
	vm0 =	vlt.u32 v6, $0x1400  }
0xb0: {  	v9 =	vmpcnt.ones.xlane vm0  }
0xb1: {  	v8 =	vld [tilespmem:s30+$0x0]  }
0xb2: {  	(v2sf) =	vpush v9, $0x0;
	_ =	sdelay $0x1  }
0xb3: {  	v7 =	vmul.u32 $0x2710, v7;
	_ =	sdelay $0x1  }
0xb4: {  	v7 =	vadd.s32 v8, v7  }
0xb5: {  	[tilespmem:s31+$0x1800] =	vst.msk vm0, v7  }
0xb6: {  	s4 =	simm.s32 $0x10;
	s0 =	simm.s32 $0x80;
	[tilespmem:s31+$0x6780] =	vst.msk vm0, v6  }
.LBB2_12:
0xb7: {  	p3 =	sne.s32 s0, $0x1840;
	v6 =	vld [tilespmem:s4+$0x1000];
	_ =	sdelay $0x1  }
0xb8: {  	v7 =	vld [tilespmem:s4+$0x800];
	_ =	sdelay $0x1  }
0xb9: {  	v8 =	vld [tilespmem:s4+$0x0]  }
0xba: {  	v6 =	vsub.s32 v6, v0  }
0xbb: {  	vm0 =	vlt.u32 v6, $0x1400  }
0xbc: {  	v7 =	vmul.u32 $0x2710, v7;
	v9 =	vmpcnt.ones.xlane vm0  }
0xbd: {  	s4 =	spop (v2sf)  }
0xbe: {  	v7 =	vadd.s32 v8, v7;
	(v2sf) =	vpush v9, $0x0;
	s31 =	sadd.s32 s31, s4  }
0xbf: {  	[tilespmem:s31+$0x1800] =	vst.msk vm0, v7  }
.Ltmp7:
0xc0: {  	[tilespmem:s31+$0x6780] =	vst.msk vm0, v6;
	(pc) =	sbr.rel @p3 .LBB2_12-.Ltmp7, $2  }
0xc1: {  	_ =	sdelay $0x2  }
0xc2: {  	s4 =	sshra.s32 s0, $0x2;
	s0 =	sadd.s32 $0x40, s0  }
0xc3: {  	v6 =	vld [tilespmem:s4+$0x1000];
	_ =	sdelay $0x4  }
0xc4: {  	v6 =	vsub.s32 v6, v0  }
0xc5: {  	vm0 =	vlt.u32 v6, $0x1400  }
0xc6: {  	v7 =	vmpcnt.ones.xlane vm0;
	_ =	sdelay $0x1  }
0xc7: {  	(v2sf) =	vpush v7, $0x0;
	_ =	sdelay $0xb  }
0xc8: {  	v7 =	vld [tilespmem:s4+$0x800];
	_ =	sdelay $0x1  }
0xc9: {  	v8 =	vld [tilespmem:s4+$0x0];
	s0 =	spop (v2sf)  }
0xca: {  	s30 =	sadd.s32 s31, s0;
	s31 =	spop (v2sf)  }
0xcb: {  	s0 =	sadd.s32 s30, s31  }
0xcc: {  	v7 =	vmul.u32 $0x2710, v7;
	s0 =	sadd.s32 $0x7F, s0  }
0xcd: {  	p3 =	slt.s32 s0, $0x80  }
.Ltmp8:
0xce: {  	v7 =	vadd.s32 v8, v7;
	(pc) =	sbr.rel @p3 .LBB2_16-.Ltmp8, $3  }
0xcf: {  	[tilespmem:s30+$0x1800] =	vst.msk vm0, v7  }
0xd0: {  	[tilespmem:s30+$0x6780] =	vst.msk vm0, v6  }
0xd1: {  	[bflag:$0x0] =	sbarrier.arrive $0xFFFF;
	_ =	sdelay $0x1  }
0xd2: {  	s4 =	sshra.s32 s0, $0x1F  }
0xd3: {  	s4 =	sshrl.u32 s4, $0x19  }
0xd4: {  	s30 =	sadd.s32 s4, s0  }
0xd5: {  	s29 =	simm.s32 $0x1800;
	s31 =	simm.s32 $0x67C0;
	s0 =	sshra.s32 s30, $0x7  }
.LBB2_15:
0xd6: {  	[tilespmem:s19], [sflag:$0x1] =	stream.indirect.gather [hbm4b:s6+s24], $0x80, s29, s24, $0xb8;
	[tilespmem:$0x1B140] =	vst v63  }
0xd7: {  	v6 =	vld [tilespmem:s31+$0xFFFFFFC0];
	_ =	sdelay $0x4  }
0xd8: {  	vm0 =	vlt.s32 v6, $0x1400  }
0xd9: {  	(xrf1) =	vunique.msk.u32 vm0, v6;
	_ =	sdelay $0xd  }
0xda: {  	_, v7, vm0 =	vpop (xrf1);
	_ =	sdelay $0x3  }
0xdb: {  	v7 =	vcvt.s32.f32 v7  }
0xdc: {  	[tilespmem:$0xB700] =	vst v6  }
0xdd: {  	[tilespmem:v6+s25+$0x0] =	vst.idx.add.f32.msk vm0, v7  }
0xde: {  	v6 =	vld [tilespmem:s31+$0xFFFFFFD0];
	_ =	sdelay $0x4  }
0xdf: {  	vm9 =	vlt.s32 v6, $0x1400  }
0xe0: {  	(xrf1) =	vunique.msk.u32 vm9, v6;
	_ =	sdelay $0xd  }
0xe1: {  	_, v7, vm0 =	vpop (xrf1);
	_ =	sdelay $0x3  }
0xe2: {  	v7 =	vcvt.s32.f32 v7  }
0xe3: {  	[tilespmem:$0xB710] =	vst v6  }
0xe4: {  	[tilespmem:v6+s25+$0x0] =	vst.idx.add.f32.msk vm0, v7  }
0xe5: {  	v6 =	vld [tilespmem:s31+$0xFFFFFFE0];
	_ =	sdelay $0x4  }
0xe6: {  	vm10 =	vlt.s32 v6, $0x1400  }
0xe7: {  	(xrf1) =	vunique.msk.u32 vm10, v6;
	_ =	sdelay $0xd  }
0xe8: {  	_, v7, vm0 =	vpop (xrf1);
	_ =	sdelay $0x3  }
0xe9: {  	v7 =	vcvt.s32.f32 v7  }
0xea: {  	[tilespmem:$0xB720] =	vst v6  }
0xeb: {  	[tilespmem:v6+s25+$0x0] =	vst.idx.add.f32.msk vm0, v7  }
0xec: {  	v6 =	vld [tilespmem:s31+$0xFFFFFFF0];
	_ =	sdelay $0x4  }
0xed: {  	vm11 =	vlt.s32 v6, $0x1400  }
0xee: {  	(xrf1) =	vunique.msk.u32 vm11, v6;
	_ =	sdelay $0xd  }
0xef: {  	_, v7, vm0 =	vpop (xrf1);
	_ =	sdelay $0x3  }
0xf0: {  	v7 =	vcvt.s32.f32 v7  }
0xf1: {  	[tilespmem:$0xB730] =	vst v6  }
0xf2: {  	[tilespmem:v6+s25+$0x0] =	vst.idx.add.f32.msk vm0, v7  }
0xf3: {  	v6 =	vld [tilespmem:s31+$0x0];
	_ =	sdelay $0x4  }
0xf4: {  	vm12 =	vlt.s32 v6, $0x1400  }
0xf5: {  	(xrf1) =	vunique.msk.u32 vm12, v6;
	_ =	sdelay $0xd  }
0xf6: {  	_, v7, vm0 =	vpop (xrf1);
	_ =	sdelay $0x3  }
0xf7: {  	v7 =	vcvt.s32.f32 v7  }
0xf8: {  	[tilespmem:$0xB740] =	vst v6  }
0xf9: {  	[tilespmem:v6+s25+$0x0] =	vst.idx.add.f32.msk vm0, v7  }
0xfa: {  	v6 =	vld [tilespmem:s31+$0x10];
	_ =	sdelay $0x4  }
0xfb: {  	vm13 =	vlt.s32 v6, $0x1400  }
0xfc: {  	(xrf1) =	vunique.msk.u32 vm13, v6;
	_ =	sdelay $0xd  }
0xfd: {  	_, v7, vm0 =	vpop (xrf1);
	_ =	sdelay $0x3  }
0xfe: {  	v7 =	vcvt.s32.f32 v7  }
0xff: {  	[tilespmem:$0xB750] =	vst v6  }
0x100: {  	[tilespmem:v6+s25+$0x0] =	vst.idx.add.f32.msk vm0, v7  }
0x101: {  	v6 =	vld [tilespmem:s31+$0x20];
	_ =	sdelay $0x4  }
0x102: {  	vm14 =	vlt.s32 v6, $0x1400  }
0x103: {  	(xrf1) =	vunique.msk.u32 vm14, v6;
	_ =	sdelay $0xd  }
0x104: {  	_, v7, vm0 =	vpop (xrf1);
	_ =	sdelay $0x3  }
0x105: {  	v7 =	vcvt.s32.f32 v7  }
0x106: {  	[tilespmem:$0xB760] =	vst v6  }
0x107: {  	[tilespmem:v6+s25+$0x0] =	vst.idx.add.f32.msk vm0, v7  }
0x108: {  	v6 =	vld [tilespmem:s31+$0x30];
	_ =	sdelay $0x4  }
0x109: {  	vm15 =	vlt.s32 v6, $0x1400  }
0x10a: {  	(xrf1) =	vunique.msk.u32 vm15, v6;
	_ =	sdelay $0xd  }
0x10b: {  	_, v7, vm0 =	vpop (xrf1);
	_ =	sdelay $0x3  }
0x10c: {  	v7 =	vcvt.s32.f32 v7  }
0x10d: {  	[tilespmem:$0xB770] =	vst v6  }
0x10e: {  	[tilespmem:v6+s25+$0x0] =	vst.idx.add.f32.msk vm0, v7  }
0x10f: {  	_ =	swait.ge [sflag:s26], $0x4000  }
0x110: {  	p3 =	sne.s32 s0, $0x1;
	[sflag:s26] =	ssyncset.done $0x0  }
.Ltmp9:
0x111: {  	[sflag:s26] =	ssyncadd.s32 $0xFFFFC000;
	(pc) =	sbr.rel @p3 .LBB2_15-.Ltmp9, $4  }
0x112: {  	[spmem:s2] =	stream.indirect.scatter.add.f32 [tilespmem:s19], [sflag:$0x3], $0x80, s28, s24, $0xb8;
	[tilespmem:$0x1B140] =	vst v63  }
0x113: {  	_ =	swait.ge [sflag:s20], $0x4000  }
0x114: {  	s29 =	sadd.s32 $0x80, s29;
	[sflag:s20] =	ssyncset.done $0x0  }
0x115: {  	s0 =	sadd.s32 $0xFFFFFFFF, s0;
	s31 =	sadd.s32 $0x80, s31;
	[sflag:s20] =	ssyncadd.s32 $0xFFFFC000  }
.Ltmp10:
0x116: {  	_ = 	snop;
	(pc) =	sbr.rel .LBB2_16-.Ltmp10, $1  }
0x117: {  	_ =	sdelay $0x3  }
.LBB2_17:
0x118: {  	_ =	sfence.sel $0x180000  }
0x119: {  	[bflag:$0x0] =	sbarrier.arrive $0xFFFF  }
0x11a: {  	_ =	strace $0x90000047  }
0x11b: {  	[bflag:$0x2] =	sbarrier.arrive $0xFFFF  }
0x11c: {  	s0 =	rddreg [dreg:$0x5]  }
0x11d: {  	s0 =	sadd.s32 @!p0 $0x100000, s0  }
0x11e: {  	[sflag:s0] =	ssyncadd.tile.s32 @!p0 $0x1;
	_ =	shalt  }
.Lfunc_end2:
_tile_overlayer_lowered:
.L_overlay_start_2:
0x11f: {  	(tag) =	ssettag $0x2  }
0x120: {  	s0 =	rddreg [dreg:$0x0];
	s2 =	stileid.u32  }
0x121: {  	s1 =	rddreg [dreg:$0x1];
	p0 =	sne.s32 s2, $0x0  }
0x122: {  	s3 =	rddreg [dreg:$0x2];
	[bflag:$0x3] =	sbarrier.arrive $0xFFFF;
	s2 =	simm.s32 @!p0 $0x1C03  }
0x123: {  	[timem:s3], [sflag:s2] =	dma.local @!p0 [hbm:s0], s1  }
0x124: {  	s0 =	simm.s32 @!p0 $0x3  }
0x125: {  	_ =	swait.ge @!p0 [sflag:s0], s1  }
0x126: {  	s1 =	ssub.s32 @!p0 $0x0, s1;
	[sflag:s0] =	ssyncset.done @!p0 $0x0  }
0x127: {  	[sflag:s0] =	ssyncadd.s32 @!p0 s1  }
0x128: {  	[bflag:$0x3] =	sbarrier.arrive $0xFFFF  }
0x129: {  	_ =	shalt  }

</sc_bundles>
